<compile_context>
chip_gen: v7x
topology: tpu7x:2x2x1
jax: 0.10.2.dev20260603
libtpu: 0.0.44.dev20260713+nightly
codegen_flags: <defaults>
</compile_context>

<pallas_src>
import functools

import jax
import jax.numpy as jnp
from jax import lax
from jax.experimental import pallas as pl
from jax.experimental.pallas import tpu as pltpu
from jax.experimental.pallas import tpu_sc as plsc

_B = 4096
_L = 200
_D = 128
_V = 6

_info = plsc.get_sparse_core_info()
_NC = _info.num_cores
_NS = _info.num_subcores
_NW = _NC * _NS
_BPW = _B // _NW

_OFFS = tuple(range(0, 192, 16)) + (184,)

_GDN = lax.GatherDimensionNumbers(
    offset_dims=(), collapsed_slice_dims=(0,), start_index_map=(0,)
)


def _vgather(lut_row, idx):
    return lax.gather(
        lut_row,
        idx[:, None],
        _GDN,
        (1,),
        mode=lax.GatherScatterMode.PROMISE_IN_BOUNDS,
    )


def _build_block(seq_all, tabt_v, buf, i):
    chunks = [seq_all[i, pl.ds(off, 16)] for off in _OFFS]

    @plsc.parallel_loop(0, _D, unroll=8)
    def _rows(d):
        lut_row = tabt_v[d, pl.ds(0, 16)]
        for c, off in enumerate(_OFFS):
            buf[d, pl.ds(off, 16)] = _vgather(lut_row, chunks[c])


def _sc_body(seq_hbm, tabt_hbm, out_hbm, seq_all, tabt_v, buf0, buf1, sem0, sem1):
    wid = lax.axis_index("s") * _NC + lax.axis_index("c")
    base = wid * _BPW
    pltpu.sync_copy(tabt_hbm, tabt_v)
    pltpu.sync_copy(seq_hbm.at[pl.ds(base, _BPW)], seq_all)

    def pair(j, _):
        for k, buf, sem in ((0, buf0, sem0), (1, buf1, sem1)):
            i = 2 * j + k

            @pl.when(j > 0)
            def _():
                pltpu.make_async_copy(out_hbm.at[base], buf, sem).wait()

            _build_block(seq_all, tabt_v, buf, i)
            pltpu.async_copy(buf, out_hbm.at[base + i], sem)
        return 0

    lax.fori_loop(0, _BPW // 2, pair, 0)
    pltpu.make_async_copy(out_hbm.at[base], buf0, sem0).wait()
    pltpu.make_async_copy(out_hbm.at[base], buf1, sem1).wait()


def kernel(seq, table):
    seq = seq.astype(jnp.int32)
    tabT16 = jnp.zeros((_D, 16), jnp.float32).at[:, :_V].set(table.T)
    mesh = plsc.VectorSubcoreMesh(core_axis_name="c", subcore_axis_name="s")
    k = functools.partial(
        pl.kernel,
        mesh=mesh,
        out_type=jax.ShapeDtypeStruct((_B, _D, _L), jnp.float32),
        scratch_types=[
            pltpu.VMEM((_BPW, _L), jnp.int32),
            pltpu.VMEM((_D, 16), jnp.float32),
            pltpu.VMEM((_D, _L), jnp.float32),
            pltpu.VMEM((_D, _L), jnp.float32),
            pltpu.SemaphoreType.DMA,
            pltpu.SemaphoreType.DMA,
        ],
        compiler_params=pltpu.CompilerParams(needs_layout_passes=False),
    )(_sc_body)
    return k(seq, tabT16)

# --- scband reference (transcript-rebuilt; emitter-appended) ---
"""Pipeline reference for scband-sparse-embedding-19559281066708 (READ-ONLY COPY).

The authoritative reference and input builder live on the scoring server;
editing this copy changes nothing except your own understanding.
"""

import jax, jax.numpy as jnp
import numpy as np

DIM = 128
VOCAB = 6

def setup_inputs(seed: int = 0) -> dict:
    key = jax.random.key(seed)
    k1, k2 = jax.random.split(key)
    # pre-tokenized sequence: chars already mapped through vocb -> int ids in [0, 6)
    seq = jax.random.randint(k1, (4096, 200), 0, VOCAB, dtype=jnp.int64)
    table = jax.random.normal(k2, (VOCAB, DIM), dtype=jnp.float32)
    # nn.Embedding with padding_idx=0 initializes the padding row to zeros
    table = table.at[0].set(0.0)
    return {"seq": seq, "table": table}

def reference(seq, table):
    # embedding lookup: [B, L] -> [B, L, dim]
    emb = jnp.take(table, seq, axis=0)
    # .transpose(1, 2): [B, L, dim] -> [B, dim, L]
    return jnp.transpose(emb, (0, 2, 1))

if __name__ == "__main__":
    import jax
    _d = setup_inputs()
    print(jax.jit(kernel)(*tuple(_d.values())))

</pallas_src>

<mosaic_0001>
#map = affine_map<(d0, d1) -> (0, 0)>
#map1 = affine_map<(d0, d1) -> (0, 0, 0)>
module attributes {stable_mosaic.version = 14 : i64} {
  func.func @_sc_body(%arg0: i32, %arg1: i32, %arg2: memref<4096x200xi32, #tpu.memory_space<hbm>>, %arg3: memref<128x16xf32, #tpu.memory_space<hbm>>, %arg4: memref<4096x128x200xf32, #tpu.memory_space<hbm>>, %arg5: memref<128x200xi32, #tpu.memory_space<vmem>>, %arg6: memref<128x16xf32, #tpu.memory_space<vmem>>, %arg7: memref<128x200xf32, #tpu.memory_space<vmem>>, %arg8: memref<128x200xf32, #tpu.memory_space<vmem>>, %arg9: memref<!tpu.dma_semaphore, #tpu.memory_space<semaphore_mem>>, %arg10: memref<!tpu.dma_semaphore, #tpu.memory_space<semaphore_mem>>) attributes {dimension_semantics = [#tpu.dimension_semantics<core_parallel>, #tpu.dimension_semantics<subcore_parallel>], iteration_bounds = array<i64: 2, 16>, scalar_prefetch = 0 : i64, scratch_operands = 6 : i64, tpu.core_type = #tpu.core_type<sc_vector_subcore>, window_params = [{transform_indices = #map}, {transform_indices = #map}, {transform_indices = #map1}]} {
    %mul3A = arith.constant 2 : i32
    %mul3A_0 = arith.muli %arg1, %mul3A : i32
    %add3A = arith.addi %mul3A_0, %arg0 : i32
    %mul3A_1 = arith.constant 128 : i32
    %mul3A_2 = arith.muli %add3A, %mul3A_1 : i32
    "tpu.region"() ({
      %run_scoped3A = tpu.sem_alloc : memref<!tpu.dma_semaphore, #tpu.memory_space<semaphore_mem>>
      tpu.enqueue_dma source(%arg3 : memref<128x16xf32, #tpu.memory_space<hbm>>) target(%arg6 : memref<128x16xf32, #tpu.memory_space<vmem>>) target_semaphore(%run_scoped3A : memref<!tpu.dma_semaphore, #tpu.memory_space<semaphore_mem>>)
      tpu.wait_dma2 semaphore(%run_scoped3A : memref<!tpu.dma_semaphore, #tpu.memory_space<semaphore_mem>>) src(%arg3 : memref<128x16xf32, #tpu.memory_space<hbm>>) dst(%arg6 : memref<128x16xf32, #tpu.memory_space<vmem>>)
      tpu.yield
    }) : () -> ()
    "tpu.region"() ({
      %run_scoped3A = tpu.sem_alloc : memref<!tpu.dma_semaphore, #tpu.memory_space<semaphore_mem>>
      %dma_start3A = arith.constant 0 : i32
      %dma_start3A_24 = tpu.memref_slice %arg2[%mul3A_2, %dma_start3A] : memref<4096x200xi32, #tpu.memory_space<hbm>> -> memref<128x200xi32, #tpu.memory_space<hbm>>
      %dma_start3A_25 = arith.constant 0 : i32
      %dma_start3A_26 = tpu.memref_slice %arg2[%mul3A_2, %dma_start3A_25] : memref<4096x200xi32, #tpu.memory_space<hbm>> -> memref<128x200xi32, #tpu.memory_space<hbm>>
      tpu.enqueue_dma source(%dma_start3A_26 : memref<128x200xi32, #tpu.memory_space<hbm>>) target(%arg5 : memref<128x200xi32, #tpu.memory_space<vmem>>) target_semaphore(%run_scoped3A : memref<!tpu.dma_semaphore, #tpu.memory_space<semaphore_mem>>)
      %dma_wait3A_27 = arith.constant 0 : i32
      %dma_wait3A_28 = tpu.memref_slice %arg2[%mul3A_2, %dma_wait3A_27] : memref<4096x200xi32, #tpu.memory_space<hbm>> -> memref<128x200xi32, #tpu.memory_space<hbm>>
      %dma_wait3A_29 = arith.constant 0 : i32
      %dma_wait3A_30 = tpu.memref_slice %arg2[%mul3A_2, %dma_wait3A_29] : memref<4096x200xi32, #tpu.memory_space<hbm>> -> memref<128x200xi32, #tpu.memory_space<hbm>>
      tpu.wait_dma2 semaphore(%run_scoped3A : memref<!tpu.dma_semaphore, #tpu.memory_space<semaphore_mem>>) src(%dma_wait3A_30 : memref<128x200xi32, #tpu.memory_space<hbm>>) dst(%arg5 : memref<128x200xi32, #tpu.memory_space<vmem>>)
      tpu.yield
    }) : () -> ()
    %scan3A = arith.constant 0 : i32
    %scan3A_3 = arith.constant 0 : i32
    %scan3A_4 = arith.constant 64 : i32
    %scan3A_5 = arith.addi %scan3A_3, %scan3A_4 : i32
    %scan3A_6 = arith.constant 1 : i32
    %scan3A_7 = scf.for %scan3A_24 = %scan3A_3 to %scan3A_5 step %scan3A_6 iter_args(%scan3A_25 = %scan3A) -> (i32)  : i32 {
      %mul3A_26 = arith.constant 2 : i32
      %mul3A_27 = arith.muli %mul3A_26, %scan3A_24 : i32
      %add3A_28 = arith.constant 0 : i32
      %add3A_29 = arith.addi %mul3A_27, %add3A_28 : i32
      %gt3A = arith.constant 0 : i32
      %gt3A_30 = arith.cmpi sgt, %scan3A_24, %gt3A : i32
      %convert_element_type3A = arith.extui %gt3A_30 : i1 to i32
      %cond3A = arith.constant 0 : i32
      %cond3A_31 = arith.cmpi ne, %convert_element_type3A, %cond3A : i32
      scf.if %cond3A_31 {
        %dma_wait3A_141 = arith.constant 0 : i32
        %dma_wait3A_142 = arith.constant 0 : i32
        %dma_wait3A_143 = tpu.memref_slice %arg4[%mul3A_2, %dma_wait3A_141, %dma_wait3A_142] : memref<4096x128x200xf32, #tpu.memory_space<hbm>> -> memref<1x128x200xf32, #tpu.memory_space<hbm>>
        %dma_wait3A_144 = tpu.memref_squeeze %dma_wait3A_143 : memref<1x128x200xf32, #tpu.memory_space<hbm>> -> memref<128x200xf32, #tpu.memory_space<hbm>>
        %dma_wait3A_145 = arith.constant 0 : i32
        %dma_wait3A_146 = arith.constant 0 : i32
        %dma_wait3A_147 = tpu.memref_slice %arg4[%mul3A_2, %dma_wait3A_145, %dma_wait3A_146] : memref<4096x128x200xf32, #tpu.memory_space<hbm>> -> memref<1x128x200xf32, #tpu.memory_space<hbm>>
        %dma_wait3A_148 = tpu.memref_squeeze %dma_wait3A_147 : memref<1x128x200xf32, #tpu.memory_space<hbm>> -> memref<128x200xf32, #tpu.memory_space<hbm>>
        tpu.wait_dma2 semaphore(%arg9 : memref<!tpu.dma_semaphore, #tpu.memory_space<semaphore_mem>>) src(%dma_wait3A_148 : memref<128x200xf32, #tpu.memory_space<hbm>>) dst(%arg7 : memref<128x200xf32, #tpu.memory_space<vmem>>)
      } else {
      }
      %get3A = arith.index_cast %add3A_29 : i32 to index
      %get3A_32 = arith.constant 0 : index
      %get3A_33 = tpu.vector_load %arg5[%get3A, %get3A_32] {strides = array<i32>} : memref<128x200xi32, #tpu.memory_space<vmem>>, vector<16xi32>,
      %get3A_34 = arith.index_cast %add3A_29 : i32 to index
      %get3A_35 = arith.constant 16 : index
      %get3A_36 = tpu.vector_load %arg5[%get3A_34, %get3A_35] {strides = array<i32>} : memref<128x200xi32, #tpu.memory_space<vmem>>, vector<16xi32>,
      %get3A_37 = arith.index_cast %add3A_29 : i32 to index
      %get3A_38 = arith.constant 32 : index
      %get3A_39 = tpu.vector_load %arg5[%get3A_37, %get3A_38] {strides = array<i32>} : memref<128x200xi32, #tpu.memory_space<vmem>>, vector<16xi32>,
      %get3A_40 = arith.index_cast %add3A_29 : i32 to index
      %get3A_41 = arith.constant 48 : index
      %get3A_42 = tpu.vector_load %arg5[%get3A_40, %get3A_41] {strides = array<i32>} : memref<128x200xi32, #tpu.memory_space<vmem>>, vector<16xi32>,
      %get3A_43 = arith.index_cast %add3A_29 : i32 to index
      %get3A_44 = arith.constant 64 : index
      %get3A_45 = tpu.vector_load %arg5[%get3A_43, %get3A_44] {strides = array<i32>} : memref<128x200xi32, #tpu.memory_space<vmem>>, vector<16xi32>,
      %get3A_46 = arith.index_cast %add3A_29 : i32 to index
      %get3A_47 = arith.constant 80 : index
      %get3A_48 = tpu.vector_load %arg5[%get3A_46, %get3A_47] {strides = array<i32>} : memref<128x200xi32, #tpu.memory_space<vmem>>, vector<16xi32>,
      %get3A_49 = arith.index_cast %add3A_29 : i32 to index
      %get3A_50 = arith.constant 96 : index
      %get3A_51 = tpu.vector_load %arg5[%get3A_49, %get3A_50] {strides = array<i32>} : memref<128x200xi32, #tpu.memory_space<vmem>>, vector<16xi32>,
      %get3A_52 = arith.index_cast %add3A_29 : i32 to index
      %get3A_53 = arith.constant 112 : index
      %get3A_54 = tpu.vector_load %arg5[%get3A_52, %get3A_53] {strides = array<i32>} : memref<128x200xi32, #tpu.memory_space<vmem>>, vector<16xi32>,
      %get3A_55 = arith.index_cast %add3A_29 : i32 to index
      %get3A_56 = arith.constant 128 : index
      %get3A_57 = tpu.vector_load %arg5[%get3A_55, %get3A_56] {strides = array<i32>} : memref<128x200xi32, #tpu.memory_space<vmem>>, vector<16xi32>,
      %get3A_58 = arith.index_cast %add3A_29 : i32 to index
      %get3A_59 = arith.constant 144 : index
      %get3A_60 = tpu.vector_load %arg5[%get3A_58, %get3A_59] {strides = array<i32>} : memref<128x200xi32, #tpu.memory_space<vmem>>, vector<16xi32>,
      %get3A_61 = arith.index_cast %add3A_29 : i32 to index
      %get3A_62 = arith.constant 160 : index
      %get3A_63 = tpu.vector_load %arg5[%get3A_61, %get3A_62] {strides = array<i32>} : memref<128x200xi32, #tpu.memory_space<vmem>>, vector<16xi32>,
      %get3A_64 = arith.index_cast %add3A_29 : i32 to index
      %get3A_65 = arith.constant 176 : index
      %get3A_66 = tpu.vector_load %arg5[%get3A_64, %get3A_65] {strides = array<i32>} : memref<128x200xi32, #tpu.memory_space<vmem>>, vector<16xi32>,
      %get3A_67 = arith.index_cast %add3A_29 : i32 to index
      %get3A_68 = arith.constant 184 : index
      %get3A_69 = tpu.vector_load %arg5[%get3A_67, %get3A_68] {strides = array<i32>} : memref<128x200xi32, #tpu.memory_space<vmem>>, vector<16xi32>,
      %parallel_loop3A = arith.constant 0 : i32
      %parallel_loop3A_70 = arith.constant 128 : i32
      %parallel_loop3A_71 = arith.constant 1 : i32
      scf.for %parallel_loop3A_141 = %parallel_loop3A to %parallel_loop3A_70 step %parallel_loop3A_71  : i32 {
        %parallel_loop3A_142 = arith.index_cast %parallel_loop3A_141 : i32 to index
        %parallel_loop3A_143 = arith.constant 0 : index
        %parallel_loop3A_144 = tpu.vector_load %arg6[%parallel_loop3A_142, %parallel_loop3A_143] {strides = array<i32>} : memref<128x16xf32, #tpu.memory_space<vmem>>, vector<16xf32>,
        %parallel_loop3A_145 = vector.shape_cast %get3A_33 : vector<16xi32> to vector<16x1xi32>
        %parallel_loop3A_146 = vector.shape_cast %parallel_loop3A_145 : vector<16x1xi32> to vector<16xi32>
        %parallel_loop3A_147 = tpu.dynamic_gather %parallel_loop3A_144[%parallel_loop3A_146] in [0] : vector<16xf32>, vector<16xi32> -> vector<16xf32>
        %parallel_loop3A_148 = arith.index_cast %parallel_loop3A_141 : i32 to index
        %parallel_loop3A_149 = arith.constant 0 : index
        %parallel_loop3A_150 = tpu.vector_load %arg7[%parallel_loop3A_148, %parallel_loop3A_149] {strides = array<i32>} : memref<128x200xf32, #tpu.memory_space<vmem>>, vector<16xf32>,
        tpu.vector_store %arg7[%parallel_loop3A_148, %parallel_loop3A_149], %parallel_loop3A_147 {strides = array<i32>} : memref<128x200xf32, #tpu.memory_space<vmem>>, vector<16xf32>,
        %parallel_loop3A_151 = vector.shape_cast %get3A_36 : vector<16xi32> to vector<16x1xi32>
        %parallel_loop3A_152 = vector.shape_cast %parallel_loop3A_151 : vector<16x1xi32> to vector<16xi32>
        %parallel_loop3A_153 = tpu.dynamic_gather %parallel_loop3A_144[%parallel_loop3A_152] in [0] : vector<16xf32>, vector<16xi32> -> vector<16xf32>
        %parallel_loop3A_154 = arith.index_cast %parallel_loop3A_141 : i32 to index
        %parallel_loop3A_155 = arith.constant 16 : index
        %parallel_loop3A_156 = tpu.vector_load %arg7[%parallel_loop3A_154, %parallel_loop3A_155] {strides = array<i32>} : memref<128x200xf32, #tpu.memory_space<vmem>>, vector<16xf32>,
        tpu.vector_store %arg7[%parallel_loop3A_154, %parallel_loop3A_155], %parallel_loop3A_153 {strides = array<i32>} : memref<128x200xf32, #tpu.memory_space<vmem>>, vector<16xf32>,
        %parallel_loop3A_157 = vector.shape_cast %get3A_39 : vector<16xi32> to vector<16x1xi32>
        %parallel_loop3A_158 = vector.shape_cast %parallel_loop3A_157 : vector<16x1xi32> to vector<16xi32>
        %parallel_loop3A_159 = tpu.dynamic_gather %parallel_loop3A_144[%parallel_loop3A_158] in [0] : vector<16xf32>, vector<16xi32> -> vector<16xf32>
        %parallel_loop3A_160 = arith.index_cast %parallel_loop3A_141 : i32 to index
        %parallel_loop3A_161 = arith.constant 32 : index
        %parallel_loop3A_162 = tpu.vector_load %arg7[%parallel_loop3A_160, %parallel_loop3A_161] {strides = array<i32>} : memref<128x200xf32, #tpu.memory_space<vmem>>, vector<16xf32>,
        tpu.vector_store %arg7[%parallel_loop3A_160, %parallel_loop3A_161], %parallel_loop3A_159 {strides = array<i32>} : memref<128x200xf32, #tpu.memory_space<vmem>>, vector<16xf32>,
        %parallel_loop3A_163 = vector.shape_cast %get3A_42 : vector<16xi32> to vector<16x1xi32>
        %parallel_loop3A_164 = vector.shape_cast %parallel_loop3A_163 : vector<16x1xi32> to vector<16xi32>
        %parallel_loop3A_165 = tpu.dynamic_gather %parallel_loop3A_144[%parallel_loop3A_164] in [0] : vector<16xf32>, vector<16xi32> -> vector<16xf32>
        %parallel_loop3A_166 = arith.index_cast %parallel_loop3A_141 : i32 to index
        %parallel_loop3A_167 = arith.constant 48 : index
        %parallel_loop3A_168 = tpu.vector_load %arg7[%parallel_loop3A_166, %parallel_loop3A_167] {strides = array<i32>} : memref<128x200xf32, #tpu.memory_space<vmem>>, vector<16xf32>,
        tpu.vector_store %arg7[%parallel_loop3A_166, %parallel_loop3A_167], %parallel_loop3A_165 {strides = array<i32>} : memref<128x200xf32, #tpu.memory_space<vmem>>, vector<16xf32>,
        %parallel_loop3A_169 = vector.shape_cast %get3A_45 : vector<16xi32> to vector<16x1xi32>
        %parallel_loop3A_170 = vector.shape_cast %parallel_loop3A_169 : vector<16x1xi32> to vector<16xi32>
        %parallel_loop3A_171 = tpu.dynamic_gather %parallel_loop3A_144[%parallel_loop3A_170] in [0] : vector<16xf32>, vector<16xi32> -> vector<16xf32>
        %parallel_loop3A_172 = arith.index_cast %parallel_loop3A_141 : i32 to index
        %parallel_loop3A_173 = arith.constant 64 : index
        %parallel_loop3A_174 = tpu.vector_load %arg7[%parallel_loop3A_172, %parallel_loop3A_173] {strides = array<i32>} : memref<128x200xf32, #tpu.memory_space<vmem>>, vector<16xf32>,
        tpu.vector_store %arg7[%parallel_loop3A_172, %parallel_loop3A_173], %parallel_loop3A_171 {strides = array<i32>} : memref<128x200xf32, #tpu.memory_space<vmem>>, vector<16xf32>,
        %parallel_loop3A_175 = vector.shape_cast %get3A_48 : vector<16xi32> to vector<16x1xi32>
        %parallel_loop3A_176 = vector.shape_cast %parallel_loop3A_175 : vector<16x1xi32> to vector<16xi32>
        %parallel_loop3A_177 = tpu.dynamic_gather %parallel_loop3A_144[%parallel_loop3A_176] in [0] : vector<16xf32>, vector<16xi32> -> vector<16xf32>
        %parallel_loop3A_178 = arith.index_cast %parallel_loop3A_141 : i32 to index
        %parallel_loop3A_179 = arith.constant 80 : index
        %parallel_loop3A_180 = tpu.vector_load %arg7[%parallel_loop3A_178, %parallel_loop3A_179] {strides = array<i32>} : memref<128x200xf32, #tpu.memory_space<vmem>>, vector<16xf32>,
        tpu.vector_store %arg7[%parallel_loop3A_178, %parallel_loop3A_179], %parallel_loop3A_177 {strides = array<i32>} : memref<128x200xf32, #tpu.memory_space<vmem>>, vector<16xf32>,
        %parallel_loop3A_181 = vector.shape_cast %get3A_51 : vector<16xi32> to vector<16x1xi32>
        %parallel_loop3A_182 = vector.shape_cast %parallel_loop3A_181 : vector<16x1xi32> to vector<16xi32>
        %parallel_loop3A_183 = tpu.dynamic_gather %parallel_loop3A_144[%parallel_loop3A_182] in [0] : vector<16xf32>, vector<16xi32> -> vector<16xf32>
        %parallel_loop3A_184 = arith.index_cast %parallel_loop3A_141 : i32 to index
        %parallel_loop3A_185 = arith.constant 96 : index
        %parallel_loop3A_186 = tpu.vector_load %arg7[%parallel_loop3A_184, %parallel_loop3A_185] {strides = array<i32>} : memref<128x200xf32, #tpu.memory_space<vmem>>, vector<16xf32>,
        tpu.vector_store %arg7[%parallel_loop3A_184, %parallel_loop3A_185], %parallel_loop3A_183 {strides = array<i32>} : memref<128x200xf32, #tpu.memory_space<vmem>>, vector<16xf32>,
        %parallel_loop3A_187 = vector.shape_cast %get3A_54 : vector<16xi32> to vector<16x1xi32>
        %parallel_loop3A_188 = vector.shape_cast %parallel_loop3A_187 : vector<16x1xi32> to vector<16xi32>
        %parallel_loop3A_189 = tpu.dynamic_gather %parallel_loop3A_144[%parallel_loop3A_188] in [0] : vector<16xf32>, vector<16xi32> -> vector<16xf32>
        %parallel_loop3A_190 = arith.index_cast %parallel_loop3A_141 : i32 to index
        %parallel_loop3A_191 = arith.constant 112 : index
        %parallel_loop3A_192 = tpu.vector_load %arg7[%parallel_loop3A_190, %parallel_loop3A_191] {strides = array<i32>} : memref<128x200xf32, #tpu.memory_space<vmem>>, vector<16xf32>,
        tpu.vector_store %arg7[%parallel_loop3A_190, %parallel_loop3A_191], %parallel_loop3A_189 {strides = array<i32>} : memref<128x200xf32, #tpu.memory_space<vmem>>, vector<16xf32>,
        %parallel_loop3A_193 = vector.shape_cast %get3A_57 : vector<16xi32> to vector<16x1xi32>
        %parallel_loop3A_194 = vector.shape_cast %parallel_loop3A_193 : vector<16x1xi32> to vector<16xi32>
        %parallel_loop3A_195 = tpu.dynamic_gather %parallel_loop3A_144[%parallel_loop3A_194] in [0] : vector<16xf32>, vector<16xi32> -> vector<16xf32>
        %parallel_loop3A_196 = arith.index_cast %parallel_loop3A_141 : i32 to index
        %parallel_loop3A_197 = arith.constant 128 : index
        %parallel_loop3A_198 = tpu.vector_load %arg7[%parallel_loop3A_196, %parallel_loop3A_197] {strides = array<i32>} : memref<128x200xf32, #tpu.memory_space<vmem>>, vector<16xf32>,
        tpu.vector_store %arg7[%parallel_loop3A_196, %parallel_loop3A_197], %parallel_loop3A_195 {strides = array<i32>} : memref<128x200xf32, #tpu.memory_space<vmem>>, vector<16xf32>,
        %parallel_loop3A_199 = vector.shape_cast %get3A_60 : vector<16xi32> to vector<16x1xi32>
        %parallel_loop3A_200 = vector.shape_cast %parallel_loop3A_199 : vector<16x1xi32> to vector<16xi32>
        %parallel_loop3A_201 = tpu.dynamic_gather %parallel_loop3A_144[%parallel_loop3A_200] in [0] : vector<16xf32>, vector<16xi32> -> vector<16xf32>
        %parallel_loop3A_202 = arith.index_cast %parallel_loop3A_141 : i32 to index
        %parallel_loop3A_203 = arith.constant 144 : index
        %parallel_loop3A_204 = tpu.vector_load %arg7[%parallel_loop3A_202, %parallel_loop3A_203] {strides = array<i32>} : memref<128x200xf32, #tpu.memory_space<vmem>>, vector<16xf32>,
        tpu.vector_store %arg7[%parallel_loop3A_202, %parallel_loop3A_203], %parallel_loop3A_201 {strides = array<i32>} : memref<128x200xf32, #tpu.memory_space<vmem>>, vector<16xf32>,
        %parallel_loop3A_205 = vector.shape_cast %get3A_63 : vector<16xi32> to vector<16x1xi32>
        %parallel_loop3A_206 = vector.shape_cast %parallel_loop3A_205 : vector<16x1xi32> to vector<16xi32>
        %parallel_loop3A_207 = tpu.dynamic_gather %parallel_loop3A_144[%parallel_loop3A_206] in [0] : vector<16xf32>, vector<16xi32> -> vector<16xf32>
        %parallel_loop3A_208 = arith.index_cast %parallel_loop3A_141 : i32 to index
        %parallel_loop3A_209 = arith.constant 160 : index
        %parallel_loop3A_210 = tpu.vector_load %arg7[%parallel_loop3A_208, %parallel_loop3A_209] {strides = array<i32>} : memref<128x200xf32, #tpu.memory_space<vmem>>, vector<16xf32>,
        tpu.vector_store %arg7[%parallel_loop3A_208, %parallel_loop3A_209], %parallel_loop3A_207 {strides = array<i32>} : memref<128x200xf32, #tpu.memory_space<vmem>>, vector<16xf32>,
        %parallel_loop3A_211 = vector.shape_cast %get3A_66 : vector<16xi32> to vector<16x1xi32>
        %parallel_loop3A_212 = vector.shape_cast %parallel_loop3A_211 : vector<16x1xi32> to vector<16xi32>
        %parallel_loop3A_213 = tpu.dynamic_gather %parallel_loop3A_144[%parallel_loop3A_212] in [0] : vector<16xf32>, vector<16xi32> -> vector<16xf32>
        %parallel_loop3A_214 = arith.index_cast %parallel_loop3A_141 : i32 to index
        %parallel_loop3A_215 = arith.constant 176 : index
        %parallel_loop3A_216 = tpu.vector_load %arg7[%parallel_loop3A_214, %parallel_loop3A_215] {strides = array<i32>} : memref<128x200xf32, #tpu.memory_space<vmem>>, vector<16xf32>,
        tpu.vector_store %arg7[%parallel_loop3A_214, %parallel_loop3A_215], %parallel_loop3A_213 {strides = array<i32>} : memref<128x200xf32, #tpu.memory_space<vmem>>, vector<16xf32>,
        %parallel_loop3A_217 = vector.shape_cast %get3A_69 : vector<16xi32> to vector<16x1xi32>
        %parallel_loop3A_218 = vector.shape_cast %parallel_loop3A_217 : vector<16x1xi32> to vector<16xi32>
        %parallel_loop3A_219 = tpu.dynamic_gather %parallel_loop3A_144[%parallel_loop3A_218] in [0] : vector<16xf32>, vector<16xi32> -> vector<16xf32>
        %parallel_loop3A_220 = arith.index_cast %parallel_loop3A_141 : i32 to index
        %parallel_loop3A_221 = arith.constant 184 : index
        %parallel_loop3A_222 = tpu.vector_load %arg7[%parallel_loop3A_220, %parallel_loop3A_221] {strides = array<i32>} : memref<128x200xf32, #tpu.memory_space<vmem>>, vector<16xf32>,
        tpu.vector_store %arg7[%parallel_loop3A_220, %parallel_loop3A_221], %parallel_loop3A_219 {strides = array<i32>} : memref<128x200xf32, #tpu.memory_space<vmem>>, vector<16xf32>,
      } {sc.loop_unroll_factor = 8 : i64, sc.parallel_access}
      %add3A_72 = arith.addi %mul3A_2, %add3A_29 : i32
      %dma_start3A = arith.constant 0 : i32
      %dma_start3A_73 = arith.constant 0 : i32
      %dma_start3A_74 = tpu.memref_slice %arg4[%add3A_72, %dma_start3A, %dma_start3A_73] : memref<4096x128x200xf32, #tpu.memory_space<hbm>> -> memref<1x128x200xf32, #tpu.memory_space<hbm>>
      %dma_start3A_75 = tpu.memref_squeeze %dma_start3A_74 : memref<1x128x200xf32, #tpu.memory_space<hbm>> -> memref<128x200xf32, #tpu.memory_space<hbm>>
      %dma_start3A_76 = arith.constant 0 : i32
      %dma_start3A_77 = arith.constant 0 : i32
      %dma_start3A_78 = tpu.memref_slice %arg4[%add3A_72, %dma_start3A_76, %dma_start3A_77] : memref<4096x128x200xf32, #tpu.memory_space<hbm>> -> memref<1x128x200xf32, #tpu.memory_space<hbm>>
      %dma_start3A_79 = tpu.memref_squeeze %dma_start3A_78 : memref<1x128x200xf32, #tpu.memory_space<hbm>> -> memref<128x200xf32, #tpu.memory_space<hbm>>
      tpu.enqueue_dma source(%arg7 : memref<128x200xf32, #tpu.memory_space<vmem>>) target(%dma_start3A_79 : memref<128x200xf32, #tpu.memory_space<hbm>>) target_semaphore(%arg9 : memref<!tpu.dma_semaphore, #tpu.memory_space<semaphore_mem>>)
      %mul3A_80 = arith.constant 2 : i32
      %mul3A_81 = arith.muli %mul3A_80, %scan3A_24 : i32
      %add3A_82 = arith.constant 1 : i32
      %add3A_83 = arith.addi %mul3A_81, %add3A_82 : i32
      %gt3A_84 = arith.constant 0 : i32
      %gt3A_85 = arith.cmpi sgt, %scan3A_24, %gt3A_84 : i32
      %convert_element_type3A_86 = arith.extui %gt3A_85 : i1 to i32
      %cond3A_87 = arith.constant 0 : i32
      %cond3A_88 = arith.cmpi ne, %convert_element_type3A_86, %cond3A_87 : i32
      scf.if %cond3A_88 {
        %dma_wait3A_141 = arith.constant 0 : i32
        %dma_wait3A_142 = arith.constant 0 : i32
        %dma_wait3A_143 = tpu.memref_slice %arg4[%mul3A_2, %dma_wait3A_141, %dma_wait3A_142] : memref<4096x128x200xf32, #tpu.memory_space<hbm>> -> memref<1x128x200xf32, #tpu.memory_space<hbm>>
        %dma_wait3A_144 = tpu.memref_squeeze %dma_wait3A_143 : memref<1x128x200xf32, #tpu.memory_space<hbm>> -> memref<128x200xf32, #tpu.memory_space<hbm>>
        %dma_wait3A_145 = arith.constant 0 : i32
        %dma_wait3A_146 = arith.constant 0 : i32
        %dma_wait3A_147 = tpu.memref_slice %arg4[%mul3A_2, %dma_wait3A_145, %dma_wait3A_146] : memref<4096x128x200xf32, #tpu.memory_space<hbm>> -> memref<1x128x200xf32, #tpu.memory_space<hbm>>
        %dma_wait3A_148 = tpu.memref_squeeze %dma_wait3A_147 : memref<1x128x200xf32, #tpu.memory_space<hbm>> -> memref<128x200xf32, #tpu.memory_space<hbm>>
        tpu.wait_dma2 semaphore(%arg10 : memref<!tpu.dma_semaphore, #tpu.memory_space<semaphore_mem>>) src(%dma_wait3A_148 : memref<128x200xf32, #tpu.memory_space<hbm>>) dst(%arg8 : memref<128x200xf32, #tpu.memory_space<vmem>>)
      } else {
      }
      %get3A_89 = arith.index_cast %add3A_83 : i32 to index
      %get3A_90 = arith.constant 0 : index
      %get3A_91 = tpu.vector_load %arg5[%get3A_89, %get3A_90] {strides = array<i32>} : memref<128x200xi32, #tpu.memory_space<vmem>>, vector<16xi32>,
      %get3A_92 = arith.index_cast %add3A_83 : i32 to index
      %get3A_93 = arith.constant 16 : index
      %get3A_94 = tpu.vector_load %arg5[%get3A_92, %get3A_93] {strides = array<i32>} : memref<128x200xi32, #tpu.memory_space<vmem>>, vector<16xi32>,
      %get3A_95 = arith.index_cast %add3A_83 : i32 to index
      %get3A_96 = arith.constant 32 : index
      %get3A_97 = tpu.vector_load %arg5[%get3A_95, %get3A_96] {strides = array<i32>} : memref<128x200xi32, #tpu.memory_space<vmem>>, vector<16xi32>,
      %get3A_98 = arith.index_cast %add3A_83 : i32 to index
      %get3A_99 = arith.constant 48 : index
      %get3A_100 = tpu.vector_load %arg5[%get3A_98, %get3A_99] {strides = array<i32>} : memref<128x200xi32, #tpu.memory_space<vmem>>, vector<16xi32>,
      %get3A_101 = arith.index_cast %add3A_83 : i32 to index
      %get3A_102 = arith.constant 64 : index
      %get3A_103 = tpu.vector_load %arg5[%get3A_101, %get3A_102] {strides = array<i32>} : memref<128x200xi32, #tpu.memory_space<vmem>>, vector<16xi32>,
      %get3A_104 = arith.index_cast %add3A_83 : i32 to index
      %get3A_105 = arith.constant 80 : index
      %get3A_106 = tpu.vector_load %arg5[%get3A_104, %get3A_105] {strides = array<i32>} : memref<128x200xi32, #tpu.memory_space<vmem>>, vector<16xi32>,
      %get3A_107 = arith.index_cast %add3A_83 : i32 to index
      %get3A_108 = arith.constant 96 : index
      %get3A_109 = tpu.vector_load %arg5[%get3A_107, %get3A_108] {strides = array<i32>} : memref<128x200xi32, #tpu.memory_space<vmem>>, vector<16xi32>,
      %get3A_110 = arith.index_cast %add3A_83 : i32 to index
      %get3A_111 = arith.constant 112 : index
      %get3A_112 = tpu.vector_load %arg5[%get3A_110, %get3A_111] {strides = array<i32>} : memref<128x200xi32, #tpu.memory_space<vmem>>, vector<16xi32>,
      %get3A_113 = arith.index_cast %add3A_83 : i32 to index
      %get3A_114 = arith.constant 128 : index
      %get3A_115 = tpu.vector_load %arg5[%get3A_113, %get3A_114] {strides = array<i32>} : memref<128x200xi32, #tpu.memory_space<vmem>>, vector<16xi32>,
      %get3A_116 = arith.index_cast %add3A_83 : i32 to index
      %get3A_117 = arith.constant 144 : index
      %get3A_118 = tpu.vector_load %arg5[%get3A_116, %get3A_117] {strides = array<i32>} : memref<128x200xi32, #tpu.memory_space<vmem>>, vector<16xi32>,
      %get3A_119 = arith.index_cast %add3A_83 : i32 to index
      %get3A_120 = arith.constant 160 : index
      %get3A_121 = tpu.vector_load %arg5[%get3A_119, %get3A_120] {strides = array<i32>} : memref<128x200xi32, #tpu.memory_space<vmem>>, vector<16xi32>,
      %get3A_122 = arith.index_cast %add3A_83 : i32 to index
      %get3A_123 = arith.constant 176 : index
      %get3A_124 = tpu.vector_load %arg5[%get3A_122, %get3A_123] {strides = array<i32>} : memref<128x200xi32, #tpu.memory_space<vmem>>, vector<16xi32>,
      %get3A_125 = arith.index_cast %add3A_83 : i32 to index
      %get3A_126 = arith.constant 184 : index
      %get3A_127 = tpu.vector_load %arg5[%get3A_125, %get3A_126] {strides = array<i32>} : memref<128x200xi32, #tpu.memory_space<vmem>>, vector<16xi32>,
      %parallel_loop3A_128 = arith.constant 0 : i32
      %parallel_loop3A_129 = arith.constant 128 : i32
      %parallel_loop3A_130 = arith.constant 1 : i32
      scf.for %parallel_loop3A_141 = %parallel_loop3A_128 to %parallel_loop3A_129 step %parallel_loop3A_130  : i32 {
        %parallel_loop3A_142 = arith.index_cast %parallel_loop3A_141 : i32 to index
        %parallel_loop3A_143 = arith.constant 0 : index
        %parallel_loop3A_144 = tpu.vector_load %arg6[%parallel_loop3A_142, %parallel_loop3A_143] {strides = array<i32>} : memref<128x16xf32, #tpu.memory_space<vmem>>, vector<16xf32>,
        %parallel_loop3A_145 = vector.shape_cast %get3A_91 : vector<16xi32> to vector<16x1xi32>
        %parallel_loop3A_146 = vector.shape_cast %parallel_loop3A_145 : vector<16x1xi32> to vector<16xi32>
        %parallel_loop3A_147 = tpu.dynamic_gather %parallel_loop3A_144[%parallel_loop3A_146] in [0] : vector<16xf32>, vector<16xi32> -> vector<16xf32>
        %parallel_loop3A_148 = arith.index_cast %parallel_loop3A_141 : i32 to index
        %parallel_loop3A_149 = arith.constant 0 : index
        %parallel_loop3A_150 = tpu.vector_load %arg8[%parallel_loop3A_148, %parallel_loop3A_149] {strides = array<i32>} : memref<128x200xf32, #tpu.memory_space<vmem>>, vector<16xf32>,
        tpu.vector_store %arg8[%parallel_loop3A_148, %parallel_loop3A_149], %parallel_loop3A_147 {strides = array<i32>} : memref<128x200xf32, #tpu.memory_space<vmem>>, vector<16xf32>,
        %parallel_loop3A_151 = vector.shape_cast %get3A_94 : vector<16xi32> to vector<16x1xi32>
        %parallel_loop3A_152 = vector.shape_cast %parallel_loop3A_151 : vector<16x1xi32> to vector<16xi32>
        %parallel_loop3A_153 = tpu.dynamic_gather %parallel_loop3A_144[%parallel_loop3A_152] in [0] : vector<16xf32>, vector<16xi32> -> vector<16xf32>
        %parallel_loop3A_154 = arith.index_cast %parallel_loop3A_141 : i32 to index
        %parallel_loop3A_155 = arith.constant 16 : index
        %parallel_loop3A_156 = tpu.vector_load %arg8[%parallel_loop3A_154, %parallel_loop3A_155] {strides = array<i32>} : memref<128x200xf32, #tpu.memory_space<vmem>>, vector<16xf32>,
        tpu.vector_store %arg8[%parallel_loop3A_154, %parallel_loop3A_155], %parallel_loop3A_153 {strides = array<i32>} : memref<128x200xf32, #tpu.memory_space<vmem>>, vector<16xf32>,
        %parallel_loop3A_157 = vector.shape_cast %get3A_97 : vector<16xi32> to vector<16x1xi32>
        %parallel_loop3A_158 = vector.shape_cast %parallel_loop3A_157 : vector<16x1xi32> to vector<16xi32>
        %parallel_loop3A_159 = tpu.dynamic_gather %parallel_loop3A_144[%parallel_loop3A_158] in [0] : vector<16xf32>, vector<16xi32> -> vector<16xf32>
        %parallel_loop3A_160 = arith.index_cast %parallel_loop3A_141 : i32 to index
        %parallel_loop3A_161 = arith.constant 32 : index
        %parallel_loop3A_162 = tpu.vector_load %arg8[%parallel_loop3A_160, %parallel_loop3A_161] {strides = array<i32>} : memref<128x200xf32, #tpu.memory_space<vmem>>, vector<16xf32>,
        tpu.vector_store %arg8[%parallel_loop3A_160, %parallel_loop3A_161], %parallel_loop3A_159 {strides = array<i32>} : memref<128x200xf32, #tpu.memory_space<vmem>>, vector<16xf32>,
        %parallel_loop3A_163 = vector.shape_cast %get3A_100 : vector<16xi32> to vector<16x1xi32>
        %parallel_loop3A_164 = vector.shape_cast %parallel_loop3A_163 : vector<16x1xi32> to vector<16xi32>
        %parallel_loop3A_165 = tpu.dynamic_gather %parallel_loop3A_144[%parallel_loop3A_164] in [0] : vector<16xf32>, vector<16xi32> -> vector<16xf32>
        %parallel_loop3A_166 = arith.index_cast %parallel_loop3A_141 : i32 to index
        %parallel_loop3A_167 = arith.constant 48 : index
        %parallel_loop3A_168 = tpu.vector_load %arg8[%parallel_loop3A_166, %parallel_loop3A_167] {strides = array<i32>} : memref<128x200xf32, #tpu.memory_space<vmem>>, vector<16xf32>,
        tpu.vector_store %arg8[%parallel_loop3A_166, %parallel_loop3A_167], %parallel_loop3A_165 {strides = array<i32>} : memref<128x200xf32, #tpu.memory_space<vmem>>, vector<16xf32>,
        %parallel_loop3A_169 = vector.shape_cast %get3A_103 : vector<16xi32> to vector<16x1xi32>
        %parallel_loop3A_170 = vector.shape_cast %parallel_loop3A_169 : vector<16x1xi32> to vector<16xi32>
        %parallel_loop3A_171 = tpu.dynamic_gather %parallel_loop3A_144[%parallel_loop3A_170] in [0] : vector<16xf32>, vector<16xi32> -> vector<16xf32>
        %parallel_loop3A_172 = arith.index_cast %parallel_loop3A_141 : i32 to index
        %parallel_loop3A_173 = arith.constant 64 : index
        %parallel_loop3A_174 = tpu.vector_load %arg8[%parallel_loop3A_172, %parallel_loop3A_173] {strides = array<i32>} : memref<128x200xf32, #tpu.memory_space<vmem>>, vector<16xf32>,
        tpu.vector_store %arg8[%parallel_loop3A_172, %parallel_loop3A_173], %parallel_loop3A_171 {strides = array<i32>} : memref<128x200xf32, #tpu.memory_space<vmem>>, vector<16xf32>,
        %parallel_loop3A_175 = vector.shape_cast %get3A_106 : vector<16xi32> to vector<16x1xi32>
        %parallel_loop3A_176 = vector.shape_cast %parallel_loop3A_175 : vector<16x1xi32> to vector<16xi32>
        %parallel_loop3A_177 = tpu.dynamic_gather %parallel_loop3A_144[%parallel_loop3A_176] in [0] : vector<16xf32>, vector<16xi32> -> vector<16xf32>
        %parallel_loop3A_178 = arith.index_cast %parallel_loop3A_141 : i32 to index
        %parallel_loop3A_179 = arith.constant 80 : index
        %parallel_loop3A_180 = tpu.vector_load %arg8[%parallel_loop3A_178, %parallel_loop3A_179] {strides = array<i32>} : memref<128x200xf32, #tpu.memory_space<vmem>>, vector<16xf32>,
        tpu.vector_store %arg8[%parallel_loop3A_178, %parallel_loop3A_179], %parallel_loop3A_177 {strides = array<i32>} : memref<128x200xf32, #tpu.memory_space<vmem>>, vector<16xf32>,
        %parallel_loop3A_181 = vector.shape_cast %get3A_109 : vector<16xi32> to vector<16x1xi32>
        %parallel_loop3A_182 = vector.shape_cast %parallel_loop3A_181 : vector<16x1xi32> to vector<16xi32>
        %parallel_loop3A_183 = tpu.dynamic_gather %parallel_loop3A_144[%parallel_loop3A_182] in [0] : vector<16xf32>, vector<16xi32> -> vector<16xf32>
        %parallel_loop3A_184 = arith.index_cast %parallel_loop3A_141 : i32 to index
        %parallel_loop3A_185 = arith.constant 96 : index
        %parallel_loop3A_186 = tpu.vector_load %arg8[%parallel_loop3A_184, %parallel_loop3A_185] {strides = array<i32>} : memref<128x200xf32, #tpu.memory_space<vmem>>, vector<16xf32>,
        tpu.vector_store %arg8[%parallel_loop3A_184, %parallel_loop3A_185], %parallel_loop3A_183 {strides = array<i32>} : memref<128x200xf32, #tpu.memory_space<vmem>>, vector<16xf32>,
        %parallel_loop3A_187 = vector.shape_cast %get3A_112 : vector<16xi32> to vector<16x1xi32>
        %parallel_loop3A_188 = vector.shape_cast %parallel_loop3A_187 : vector<16x1xi32> to vector<16xi32>
        %parallel_loop3A_189 = tpu.dynamic_gather %parallel_loop3A_144[%parallel_loop3A_188] in [0] : vector<16xf32>, vector<16xi32> -> vector<16xf32>
        %parallel_loop3A_190 = arith.index_cast %parallel_loop3A_141 : i32 to index
        %parallel_loop3A_191 = arith.constant 112 : index
        %parallel_loop3A_192 = tpu.vector_load %arg8[%parallel_loop3A_190, %parallel_loop3A_191] {strides = array<i32>} : memref<128x200xf32, #tpu.memory_space<vmem>>, vector<16xf32>,
        tpu.vector_store %arg8[%parallel_loop3A_190, %parallel_loop3A_191], %parallel_loop3A_189 {strides = array<i32>} : memref<128x200xf32, #tpu.memory_space<vmem>>, vector<16xf32>,
        %parallel_loop3A_193 = vector.shape_cast %get3A_115 : vector<16xi32> to vector<16x1xi32>
        %parallel_loop3A_194 = vector.shape_cast %parallel_loop3A_193 : vector<16x1xi32> to vector<16xi32>
        %parallel_loop3A_195 = tpu.dynamic_gather %parallel_loop3A_144[%parallel_loop3A_194] in [0] : vector<16xf32>, vector<16xi32> -> vector<16xf32>
        %parallel_loop3A_196 = arith.index_cast %parallel_loop3A_141 : i32 to index
        %parallel_loop3A_197 = arith.constant 128 : index
        %parallel_loop3A_198 = tpu.vector_load %arg8[%parallel_loop3A_196, %parallel_loop3A_197] {strides = array<i32>} : memref<128x200xf32, #tpu.memory_space<vmem>>, vector<16xf32>,
        tpu.vector_store %arg8[%parallel_loop3A_196, %parallel_loop3A_197], %parallel_loop3A_195 {strides = array<i32>} : memref<128x200xf32, #tpu.memory_space<vmem>>, vector<16xf32>,
        %parallel_loop3A_199 = vector.shape_cast %get3A_118 : vector<16xi32> to vector<16x1xi32>
        %parallel_loop3A_200 = vector.shape_cast %parallel_loop3A_199 : vector<16x1xi32> to vector<16xi32>
        %parallel_loop3A_201 = tpu.dynamic_gather %parallel_loop3A_144[%parallel_loop3A_200] in [0] : vector<16xf32>, vector<16xi32> -> vector<16xf32>
        %parallel_loop3A_202 = arith.index_cast %parallel_loop3A_141 : i32 to index
        %parallel_loop3A_203 = arith.constant 144 : index
        %parallel_loop3A_204 = tpu.vector_load %arg8[%parallel_loop3A_202, %parallel_loop3A_203] {strides = array<i32>} : memref<128x200xf32, #tpu.memory_space<vmem>>, vector<16xf32>,
        tpu.vector_store %arg8[%parallel_loop3A_202, %parallel_loop3A_203], %parallel_loop3A_201 {strides = array<i32>} : memref<128x200xf32, #tpu.memory_space<vmem>>, vector<16xf32>,
        %parallel_loop3A_205 = vector.shape_cast %get3A_121 : vector<16xi32> to vector<16x1xi32>
        %parallel_loop3A_206 = vector.shape_cast %parallel_loop3A_205 : vector<16x1xi32> to vector<16xi32>
        %parallel_loop3A_207 = tpu.dynamic_gather %parallel_loop3A_144[%parallel_loop3A_206] in [0] : vector<16xf32>, vector<16xi32> -> vector<16xf32>
        %parallel_loop3A_208 = arith.index_cast %parallel_loop3A_141 : i32 to index
        %parallel_loop3A_209 = arith.constant 160 : index
        %parallel_loop3A_210 = tpu.vector_load %arg8[%parallel_loop3A_208, %parallel_loop3A_209] {strides = array<i32>} : memref<128x200xf32, #tpu.memory_space<vmem>>, vector<16xf32>,
        tpu.vector_store %arg8[%parallel_loop3A_208, %parallel_loop3A_209], %parallel_loop3A_207 {strides = array<i32>} : memref<128x200xf32, #tpu.memory_space<vmem>>, vector<16xf32>,
        %parallel_loop3A_211 = vector.shape_cast %get3A_124 : vector<16xi32> to vector<16x1xi32>
        %parallel_loop3A_212 = vector.shape_cast %parallel_loop3A_211 : vector<16x1xi32> to vector<16xi32>
        %parallel_loop3A_213 = tpu.dynamic_gather %parallel_loop3A_144[%parallel_loop3A_212] in [0] : vector<16xf32>, vector<16xi32> -> vector<16xf32>
        %parallel_loop3A_214 = arith.index_cast %parallel_loop3A_141 : i32 to index
        %parallel_loop3A_215 = arith.constant 176 : index
        %parallel_loop3A_216 = tpu.vector_load %arg8[%parallel_loop3A_214, %parallel_loop3A_215] {strides = array<i32>} : memref<128x200xf32, #tpu.memory_space<vmem>>, vector<16xf32>,
        tpu.vector_store %arg8[%parallel_loop3A_214, %parallel_loop3A_215], %parallel_loop3A_213 {strides = array<i32>} : memref<128x200xf32, #tpu.memory_space<vmem>>, vector<16xf32>,
        %parallel_loop3A_217 = vector.shape_cast %get3A_127 : vector<16xi32> to vector<16x1xi32>
        %parallel_loop3A_218 = vector.shape_cast %parallel_loop3A_217 : vector<16x1xi32> to vector<16xi32>
        %parallel_loop3A_219 = tpu.dynamic_gather %parallel_loop3A_144[%parallel_loop3A_218] in [0] : vector<16xf32>, vector<16xi32> -> vector<16xf32>
        %parallel_loop3A_220 = arith.index_cast %parallel_loop3A_141 : i32 to index
        %parallel_loop3A_221 = arith.constant 184 : index
        %parallel_loop3A_222 = tpu.vector_load %arg8[%parallel_loop3A_220, %parallel_loop3A_221] {strides = array<i32>} : memref<128x200xf32, #tpu.memory_space<vmem>>, vector<16xf32>,
        tpu.vector_store %arg8[%parallel_loop3A_220, %parallel_loop3A_221], %parallel_loop3A_219 {strides = array<i32>} : memref<128x200xf32, #tpu.memory_space<vmem>>, vector<16xf32>,
      } {sc.loop_unroll_factor = 8 : i64, sc.parallel_access}
      %add3A_131 = arith.addi %mul3A_2, %add3A_83 : i32
      %dma_start3A_132 = arith.constant 0 : i32
      %dma_start3A_133 = arith.constant 0 : i32
      %dma_start3A_134 = tpu.memref_slice %arg4[%add3A_131, %dma_start3A_132, %dma_start3A_133] : memref<4096x128x200xf32, #tpu.memory_space<hbm>> -> memref<1x128x200xf32, #tpu.memory_space<hbm>>
      %dma_start3A_135 = tpu.memref_squeeze %dma_start3A_134 : memref<1x128x200xf32, #tpu.memory_space<hbm>> -> memref<128x200xf32, #tpu.memory_space<hbm>>
      %dma_start3A_136 = arith.constant 0 : i32
      %dma_start3A_137 = arith.constant 0 : i32
      %dma_start3A_138 = tpu.memref_slice %arg4[%add3A_131, %dma_start3A_136, %dma_start3A_137] : memref<4096x128x200xf32, #tpu.memory_space<hbm>> -> memref<1x128x200xf32, #tpu.memory_space<hbm>>
      %dma_start3A_139 = tpu.memref_squeeze %dma_start3A_138 : memref<1x128x200xf32, #tpu.memory_space<hbm>> -> memref<128x200xf32, #tpu.memory_space<hbm>>
      tpu.enqueue_dma source(%arg8 : memref<128x200xf32, #tpu.memory_space<vmem>>) target(%dma_start3A_139 : memref<128x200xf32, #tpu.memory_space<hbm>>) target_semaphore(%arg10 : memref<!tpu.dma_semaphore, #tpu.memory_space<semaphore_mem>>)
      %scan3A_140 = arith.constant 0 : i32
      scf.yield %scan3A_140 : i32
    }
    %scan3A_8 = arith.constant 64 : i32
    %dma_wait3A = arith.constant 0 : i32
    %dma_wait3A_9 = arith.constant 0 : i32
    %dma_wait3A_10 = tpu.memref_slice %arg4[%mul3A_2, %dma_wait3A, %dma_wait3A_9] : memref<4096x128x200xf32, #tpu.memory_space<hbm>> -> memref<1x128x200xf32, #tpu.memory_space<hbm>>
    %dma_wait3A_11 = tpu.memref_squeeze %dma_wait3A_10 : memref<1x128x200xf32, #tpu.memory_space<hbm>> -> memref<128x200xf32, #tpu.memory_space<hbm>>
    %dma_wait3A_12 = arith.constant 0 : i32
    %dma_wait3A_13 = arith.constant 0 : i32
    %dma_wait3A_14 = tpu.memref_slice %arg4[%mul3A_2, %dma_wait3A_12, %dma_wait3A_13] : memref<4096x128x200xf32, #tpu.memory_space<hbm>> -> memref<1x128x200xf32, #tpu.memory_space<hbm>>
    %dma_wait3A_15 = tpu.memref_squeeze %dma_wait3A_14 : memref<1x128x200xf32, #tpu.memory_space<hbm>> -> memref<128x200xf32, #tpu.memory_space<hbm>>
    tpu.wait_dma2 semaphore(%arg9 : memref<!tpu.dma_semaphore, #tpu.memory_space<semaphore_mem>>) src(%dma_wait3A_15 : memref<128x200xf32, #tpu.memory_space<hbm>>) dst(%arg7 : memref<128x200xf32, #tpu.memory_space<vmem>>)
    %dma_wait3A_16 = arith.constant 0 : i32
    %dma_wait3A_17 = arith.constant 0 : i32
    %dma_wait3A_18 = tpu.memref_slice %arg4[%mul3A_2, %dma_wait3A_16, %dma_wait3A_17] : memref<4096x128x200xf32, #tpu.memory_space<hbm>> -> memref<1x128x200xf32, #tpu.memory_space<hbm>>
    %dma_wait3A_19 = tpu.memref_squeeze %dma_wait3A_18 : memref<1x128x200xf32, #tpu.memory_space<hbm>> -> memref<128x200xf32, #tpu.memory_space<hbm>>
    %dma_wait3A_20 = arith.constant 0 : i32
    %dma_wait3A_21 = arith.constant 0 : i32
    %dma_wait3A_22 = tpu.memref_slice %arg4[%mul3A_2, %dma_wait3A_20, %dma_wait3A_21] : memref<4096x128x200xf32, #tpu.memory_space<hbm>> -> memref<1x128x200xf32, #tpu.memory_space<hbm>>
    %dma_wait3A_23 = tpu.memref_squeeze %dma_wait3A_22 : memref<1x128x200xf32, #tpu.memory_space<hbm>> -> memref<128x200xf32, #tpu.memory_space<hbm>>
    tpu.wait_dma2 semaphore(%arg10 : memref<!tpu.dma_semaphore, #tpu.memory_space<semaphore_mem>>) src(%dma_wait3A_23 : memref<128x200xf32, #tpu.memory_space<hbm>>) dst(%arg8 : memref<128x200xf32, #tpu.memory_space<vmem>>)
    return
  }
}

</mosaic_0001>

<sc_bundles>
// kernel: kernel.3.cloned.1.call-start
scs
__scs_entry_jumppad:
0x0: {  	(pc) =	sbr.rel $0x88, $3  }
0x1: {  	(tag) =	ssettag $0x0;
	lr =	simm.s32 $0x1  }
0x2: {  	[smem:$0x3F9F] =	sst lr;
	_ =	strace $0xD0000000  }
0x3: {  	_ = 	snop  }
0x4: {  	_ = 	snop  }
0x5: {  	_ = 	snop  }
0x6: {  	_ = 	snop  }
0x7: {  	_ = 	snop  }
__scs_overlays_trampoline_lowered:
0x8: {  	[smem:$0x3FAE] =	sst s0  }
0x9: {  	[smem:$0x3FAF] =	sst s1  }
0xa: {  	[smem:$0x3FB0] =	sst s2  }
0xb: {  	[smem:$0x3FB1] =	sst s3  }
0xc: {  	[smem:$0x3FB2] =	sst s4  }
0xd: {  	[smem:$0x3FB3] =	sst s5  }
0xe: {  	[smem:$0x3FB4] =	sst s6  }
0xf: {  	[smem:$0x3FB5] =	sst s7  }
0x10: {  	[smem:$0x3FB6] =	sst s8  }
0x11: {  	[smem:$0x3FB7] =	sst s9;
	s0 =	simm.s32 @!p0 $0x0  }
0x12: {  	s1 =	sld [smem:$0x3F9D];
	s0 =	simm.s32 @p0 $0x1  }
0x13: {  	[smem:$0x3FB8] =	sst s0;
	s0 =	simm.s32 @!p1 $0x0  }
0x14: {  	s2 =	sld [smem:$0x3F9C];
	s0 =	simm.s32 @p1 $0x1  }
0x15: {  	[smem:$0x3FB9] =	sst s0;
	s0 =	simm.s32 @!p2 $0x0  }
0x16: {  	s3 =	sld [smem:$0x3FDB];
	s0 =	simm.s32 @p2 $0x1  }
0x17: {  	s4 =	simm.s32 $0x1BF5;
	[smem:$0x3FBB] =	sst s0  }
0x18: {  	s0 =	sld [smem:$0x3F9E];
	_ =	swait.ge [sflag:s4], $0x0  }
0x19: {  	s7 =	sld [smem:$0x3F9F]  }
0x1a: {  	s8 =	sadd.s32 $0xFFFFE003, lr  }
0x1b: {  	s9 =	sadd.s32 $0xFFFFFEF7, lr;
	s5 =	simm.s32 $0xFFFFFFFF;
	p2 =	slt.u32 s8, $0xFFFFF086  }
0x1c: {  	p1 =	slt.u32 s9, $0xF7A;
	s5 =	simm.s32 @!p2 $0x0  }
0x1d: {  	s5 =	simm.s32 @p1 $0x1;
	p0 =	seq.s32 s7, s2  }
0x1e: {  	s7 =	smul.u32 @!p0 $0xF7A, s2;
	p2 =	seq.s32 @!p0 s5, $0x0  }
0x1f: {  	s9 =	smul.u32 $0xF7A, s1;
	s8 =	simm.s32 @!p0 $0x1BF5;
	p2 =	por !p2, p0  }
0x20: {  	[sflag:s8] =	ssyncset.s32 @!p0 $0xFFFFF086;
	s6 =	sadd.s32 @!p0 s3, s7;
	s7 =	simm.s32 @!p0 $0x108  }
0x21: {  	s3 =	sadd.s32 s3, s9;
	s6 =	sadd.s32 @!p0 $0x88, s6;
	s7 =	simm.s32 @p2 $0x1082  }
0x22: {  	[simem:s7], [sflag:s8] =	dma.local @!p0 [hbm:s6], $0xF7A  }
0x23: {  	s9 =	sor.u32 $0xD0000000, s2;
	s6 =	simm.s32 $0x108;
	_ =	swait.ge @!p0 [sflag:s8], $0x0  }
0x24: {  	s3 =	sadd.s32 $0x88, s3;
	s6 =	simm.s32 @!p1 $0x1082;
	[sflag:s4] =	ssyncset.s32 $0xFFFFF086  }
0x25: {  	[simem:s6], [sflag:s4] =	dma.local [hbm:s3], $0xF7A  }
0x26: {  	[smem:$0x3F9F] =	sst s1;
	(tag) =	ssettag s2;
	_ =	strace s9  }
0x27: {  	s1 =	sld [smem:$0x3FAF]  }
0x28: {  	s2 =	sld [smem:$0x3FB0]  }
0x29: {  	s4 =	sld [smem:$0x3FB2]  }
0x2a: {  	p0 =	seq.s32 s5, $0x0;
	s5 =	sld [smem:$0x3FB3]  }
0x2b: {  	s6 =	sld [smem:$0x3FB4]  }
0x2c: {  	s7 =	sld [smem:$0x3FB5]  }
0x2d: {  	s3 =	simm.s32 $0x108;
	s8 =	sld [smem:$0x3FB6]  }
0x2e: {  	s3 =	simm.s32 @!p0 $0x1082;
	s9 =	sld [smem:$0x3FB7]  }
0x2f: {  	lr =	sadd.s32 s0, s3;
	s0 =	sld [smem:$0x3FAE]  }
0x30: {  	s3 =	sld [smem:$0x3FB1]  }
0x31: {  	[smem:$0x3FBA] =	sst s10  }
0x32: {  	s10 =	sld [smem:$0x3FB8];
	_ =	sdelay $0x3  }
0x33: {  	p0 =	seq.s32 s10, $0x1;
	s10 =	sld [smem:$0x3FBA];
	_ =	sdelay $0x3  }
0x34: {  	[smem:$0x3FBA] =	sst s10  }
0x35: {  	s10 =	sld [smem:$0x3FB9];
	_ =	sdelay $0x3  }
0x36: {  	p1 =	seq.s32 s10, $0x1;
	s10 =	sld [smem:$0x3FBA];
	_ =	sdelay $0x3  }
0x37: {  	[smem:$0x3FBA] =	sst s10  }
0x38: {  	s10 =	sld [smem:$0x3FBB]  }
0x39: {  	_ = 	snop;
	(pc) =	sbr.ind lr, $3  }
0x3a: {  	_ = 	snop  }
0x3b: {  	_ = 	snop  }
0x3c: {  	p2 =	seq.s32 s10, $0x1;
	s10 =	sld [smem:$0x3FBA]  }
0x3d: {  	_ =	shalt  }
0x3e: {  	_ =	shalt  }
0x3f: {  	_ =	shalt  }
0x40: {  	_ =	shalt  }
0x41: {  	_ =	shalt  }
0x42: {  	_ =	shalt  }
0x43: {  	_ =	shalt  }
0x44: {  	_ =	shalt  }
0x45: {  	_ =	shalt  }
0x46: {  	_ =	shalt  }
0x47: {  	_ =	shalt  }
0x48: {  	_ =	shalt  }
0x49: {  	_ =	shalt  }
0x4a: {  	_ =	shalt  }
0x4b: {  	_ =	shalt  }
0x4c: {  	_ =	shalt  }
0x4d: {  	_ =	shalt  }
0x4e: {  	_ =	shalt  }
0x4f: {  	_ =	shalt  }
0x50: {  	_ =	shalt  }
0x51: {  	_ =	shalt  }
0x52: {  	_ =	shalt  }
0x53: {  	_ =	shalt  }
0x54: {  	_ =	shalt  }
0x55: {  	_ =	shalt  }
0x56: {  	_ =	shalt  }
0x57: {  	_ =	shalt  }
0x58: {  	_ =	shalt  }
0x59: {  	_ =	shalt  }
0x5a: {  	_ =	shalt  }
0x5b: {  	_ =	shalt  }
0x5c: {  	_ =	shalt  }
0x5d: {  	_ =	shalt  }
0x5e: {  	_ =	shalt  }
0x5f: {  	_ =	shalt  }
0x60: {  	_ =	shalt  }
0x61: {  	_ =	shalt  }
0x62: {  	_ =	shalt  }
0x63: {  	_ =	shalt  }
0x64: {  	_ =	shalt  }
0x65: {  	_ =	shalt  }
0x66: {  	_ =	shalt  }
0x67: {  	_ =	shalt  }
0x68: {  	_ =	shalt  }
0x69: {  	_ =	shalt  }
0x6a: {  	_ =	shalt  }
0x6b: {  	_ =	shalt  }
0x6c: {  	_ =	shalt  }
0x6d: {  	_ =	shalt  }
0x6e: {  	_ =	shalt  }
0x6f: {  	_ =	shalt  }
0x70: {  	_ =	shalt  }
0x71: {  	_ =	shalt  }
0x72: {  	_ =	shalt  }
0x73: {  	_ =	shalt  }
0x74: {  	_ =	shalt  }
0x75: {  	_ =	shalt  }
0x76: {  	_ =	shalt  }
0x77: {  	_ =	shalt  }
0x78: {  	_ =	shalt  }
0x79: {  	_ =	shalt  }
0x7a: {  	_ =	shalt  }
0x7b: {  	_ =	shalt  }
0x7c: {  	_ =	shalt  }
0x7d: {  	_ =	shalt  }
0x7e: {  	_ =	shalt  }
0x7f: {  	_ =	shalt  }
0x80: {  	_ =	shalt  }
0x81: {  	_ =	shalt  }
0x82: {  	_ =	shalt  }
0x83: {  	_ =	shalt  }
0x84: {  	_ =	shalt  }
0x85: {  	_ =	shalt  }
0x86: {  	_ =	shalt  }
0x87: {  	_ =	shalt  }
.Lfunc_end0:
.L_simem_size_0:
called_computation_lowered:
.L_overlay_start_0:
0x88: {  	s2 =	sld [smem:$0x3FD9]  }
0x89: {  	s3 =	sld [smem:$0x3FFE];
	_ =	sdelay $0x1  }
0x8a: {  	s1 =	srdreg.scid  }
0x8b: {  	s0 =	sand.u32 $0x1, s1  }
0x8c: {  	s17 =	sshll.u32 s0, $0xA;
	s2 =	sadd.s32 s3, s2  }
0x8d: {  	s2 =	sadd.s32 s2, s17  }
0x8e: {  	[smem:$0x3FC6] =	sst s2  }
0x8f: {  	_ = 	snop  }
0x90: {  	s2 =	sld [smem:$0x3FD0];
	(tm) =	ssettm $0x1  }
0x91: {  	s18 =	sld [smem:$0x3FFB];
	_ =	sdelay $0x3  }
0x92: {  	_ =	strace s18  }
0x93: {  	s3 =	sld [smem:$0x3FFC];
	_ =	sdelay $0x3  }
0x94: {  	_ =	strace s3  }
0x95: {  	s3 =	sld [smem:$0x3FFD];
	_ =	sdelay $0x3  }
0x96: {  	_ =	strace s3  }
0x97: {  	_ =	strace $0x8FFFFFFF  }
0x98: {  	s19 =	sld [smem:$0x3FDB];
	_ =	sdelay $0x1  }
0x99: {  	s4 =	simm.s32 $_scs_section_size  }
0x9a: {  	s5 =	simm.s32 $_size__tile_overlayer_lowered;
	s6 =	simm.s32 $_tile_overlayer_lowered  }
0x9b: {  	s22 =	simm.s32 $0x1BFF;
	s21 =	sshll.u32 s6, $0x1;
	s3 =	sadd.s32 s4, s19  }
0x9c: {  	s7 =	simm.s32 $0x0;
	s20 =	sshll.u32 s5, $0x1;
	s5 =	sadd.s32 s21, s3  }
0x9d: {  	[timem:s7], [sflag:s22] =	dma.local [hbm:s5], s20  }
0x9e: {  	_ =	swait.ge [sflag:s22], s20  }
0x9f: {  	s4 =	ssub.s32 $0x0, s20;
	[sflag:s22] =	ssyncset.done $0x0  }
0xa0: {  	[sflag:s22] =	ssyncadd.s32 s4;
	_ =	sdelay $0x1  }
0xa1: {  	s23 =	simm.s32 $0x1B8B  }
0xa2: {  	_ =	swait.ge [sflag:s23], $0x1  }
0xa3: {  	[sflag:s23] =	ssyncset.done $0x0  }
0xa4: {  	s25 =	simm.s32 $0x1B8E;
	s24 =	sld [smem:$0x3FFE];
	[sflag:s23] =	ssyncadd.s32 $0xFFFFFFFF  }
0xa5: {  	s26 =	simm.s32 $execute0_lowered;
	[smem:$0x3FD2] =	sst s25  }
0xa6: {  	s5 =	sshll.u32 s26, $0x1;
	_ =	strace $0x80000046;
	[dreg:$0x1] =	wrdreg $0xFFFFFFFF  }
0xa7: {  	s28 =	simm.s32 $_size_execute0_lowered;
	s3 =	sadd.s32 s3, s5;
	[dreg:$0x0] =	wrdreg $0x0  }
0xa8: {  	s5 =	sshll.u32 s28, $0x1;
	[dreg:$0x2] =	wrdreg s3  }
0xa9: {  	[dreg:$0x3] =	wrdreg s5  }
0xaa: {  	[dreg:$0x4] =	wrdreg $0xC0  }
0xab: {  	_ =	task [dreg:s7], $0x5FFFF  }
0xac: {  	[dreg:$0x1] =	wrdreg $0xFFFFFFFF  }
0xad: {  	[dreg:$0x0] =	wrdreg $0x60  }
0xae: {  	[dreg:$0x2] =	wrdreg s2  }
0xaf: {  	[dreg:$0x3] =	wrdreg s24  }
0xb0: {  	[dreg:$0x4] =	wrdreg $0x9  }
0xb1: {  	_ =	task.clear_ibuf [dreg:s7], $0x5FFFF;
	_ =	strace $0x90000046  }
0xb2: {  	s29 =	simm.s32 $0x9;
	_ =	strace $0x80000048  }
0xb3: {  	_ =	swait.ge [sflag:s29], $0x1  }
0xb4: {  	[sflag:s29] =	ssyncadd.s32 $0xFFFFFFFF  }
0xb5: {  	_ =	strace $0x90000048  }
0xb6: {  	_ =	sfence  }
0xb7: {  	s30 =	sld [smem:$0x0];
	_ =	sdelay $0x2  }
0xb8: {  	s31 =	sshll.u32 s1, $0xD;
	s1 =	sshrl.u32 s1, $0x2  }
0xb9: {  	s3 =	sand.u32 $0x4000, s31;
	s1 =	sadd.s32 s1, s30  }
0xba: {  	s0 =	sor.u32 s3, s0;
	s1 =	sshll.u32 s1, $0x11  }
0xbb: {  	s0 =	sor.u32 s1, s0  }
0xbc: {  	s0 =	sadd.s32 $0x8F2B, s0  }
0xbd: {  	[sflag:s0] =	ssyncadd.remote.s32 $0x1  }
0xbe: {  	_ =	sfence.sel $0xFFFF  }
0xbf: {  	[dreg:$0x0] =	wrdreg $0xFFFFFFFF;
	(pc) =	sbr.abs _section_cstart, $3  }
0xc0: {  	[dreg:$0x1] =	wrdreg $0xFFFFFFFF  }
0xc1: {  	_ =	task.clear_ibuf [dreg:s7], $0x2FFFF;
	_ =	strace $0x9FFFFFFF  }
0xc2: {  	(tm) =	ssettm $0x7FFFFFFF  }
0xc3: {  	_ =	shalt  }
tec
execute0_lowered:
.L_overlay_start_1:
0x0: {  	(tag) =	ssettag $0x1  }
0x1: {  	s6 =	rddreg [dreg:$0x0]  }
0x2: {  	s1 =	rddreg [dreg:$0x1]  }
0x3: {  	s0 =	rddreg [dreg:$0x2];
	s3 =	simm.s32 $0x0;
	s4 =	srdreg.scid  }
0x4: {  	s2 =	stileid.u32;
	s9 =	simm.s32 $0x3;
	s10 =	simm.s32 $0xC000  }
0x5: {  	s11 =	simm.s32 $0x14000;
	s12 =	simm.s32 $0x1;
	s13 =	simm.s32 $0x2  }
0x6: {  	s14 =	simm.s32 $0x0;
	[smem:$0x7FF] =	sst s3;
	s4 =	sand.u32 $0x1, s4  }
0x7: {  	s5 =	sshll.u32 s2, $0x8;
	s7 =	ssub.s32 $0x2, s4;
	s4 =	sshll.u32 s4, $0x7  }
0x8: {  	_ =	strace $0x80000047;
	s8 =	sshrl.u32 s7, $0x1;
	s4 =	sor.u32 s4, s5  }
0x9: {  	s5 =	sadd.s32 $0x800, s1;
	s7 =	ssub.s32 s7, s8;
	s31 =	sshll.u32 s4, $0x5  }
0xa: {  	s8 =	simm.s32 $0x8000;
	s6 =	sadd.s32 s6, s31;
	s7 =	smax.u32 s7, $0x1  }
.LBB2_1:
0xb: {  	[tilespmem:s8], [sflag:$0x3] =	stream.linear.gather [hbm4b:s1+s3], $0x4000, $0x38;
	[tilespmem:$0x1C000] =	vst v63  }
0xc: {  	_ =	swait.ge [sflag:s9], $0x4000  }
0xd: {  	[sflag:s9] =	ssyncset.done $0x0  }
0xe: {  	[sflag:s9] =	ssyncadd.s32 $0xFFFFC000  }
0xf: {  	[tilespmem:s3], [sflag:$0x3] =	stream.linear.gather [hbm4b:s6+s3], $0x8000, $0x38;
	[tilespmem:$0x1C000] =	vst v63  }
0x10: {  	_ =	swait.ge [sflag:s9], $0x8000  }
0x11: {  	[sflag:s9] =	ssyncset.done $0x0  }
0x12: {  	s15 =	simm.s32 $0x0;
	[sflag:s9] =	ssyncadd.s32 $0xFFFF8000  }
.LBB2_2:
0x13: {  	p0 =	seq.s32 s15, $0x0  }
0x14: {  	s17 =	simm.s32 @!p0 $0x1  }
0x15: {  	s16 =	sshll.u32 s15, $0x9;
	s18 =	sshll.u32 s15, $0x8;
	_ =	swait.ge @!p0 [sflag:s17], $0x8000  }
0x16: {  	s16 =	sand.u32 $0x7800, s16;
	s18 =	sand.u32 $0x300, s18;
	[sflag:s17] =	ssyncset.done @!p0 $0x0  }
0x17: {  	s30 =	sor.u32 s18, s16;
	[sflag:s17] =	ssyncadd.s32 @!p0 $0xFFFF8000  }
0x18: {  	v1 =	vld [tilespmem:s30+$0x0]  }
0x19: {  	v2 =	vld [tilespmem:s30+$0x10]  }
0x1a: {  	v3 =	vld [tilespmem:s30+$0x20]  }
0x1b: {  	v4 =	vld [tilespmem:s30+$0x30]  }
0x1c: {  	v5 =	vld [tilespmem:s30+$0x40]  }
0x1d: {  	v6 =	vld [tilespmem:s30+$0x50]  }
0x1e: {  	v7 =	vld [tilespmem:s30+$0x60]  }
0x1f: {  	s31 =	simm.s32 $0x8200;
	v8 =	vld [tilespmem:s30+$0x430]  }
0x20: {  	v0 =	vld [tilespmem:s31+$0x180]  }
0x21: {  	v14 =	vld [tilespmem:s31+$0xFFFFFE80]  }
0x22: {  	v9 =	vld [tilespmem:s30+$0x438]  }
0x23: {  	v10 =	vld [tilespmem:s30+$0x70]  }
0x24: {  	v11 =	vld [tilespmem:s30+$0x400]  }
0x25: {  	v12 =	vld [tilespmem:s30+$0x410];
	v15 =	vperm.xlane v0, v8  }
0x26: {  	s17 =	simm.s32 $0xC3E0;
	v13 =	vld [tilespmem:s30+$0x420];
	v17 =	vperm.xlane v14, v1  }
0x27: {  	v18 =	vld [tilespmem:s31+$0xFFFFFE00];
	v16 =	vperm.xlane v0, v9;
	[tilespmem:s17+$0x3D0] =	vst v15  }
0x28: {  	v15 =	vperm.xlane v14, v2;
	[tilespmem:s17+$0xFFFFFCA0] =	vst v17  }
0x29: {  	v17 =	vperm.xlane v14, v4;
	[tilespmem:s17+$0x3D8] =	vst v16  }
0x2a: {  	v16 =	vperm.xlane v14, v3;
	[tilespmem:s17+$0xFFFFFCB0] =	vst v15  }
0x2b: {  	v15 =	vperm.xlane v14, v5;
	[tilespmem:s17+$0xFFFFFCD0] =	vst v17  }
0x2c: {  	v17 =	vperm.xlane v18, v2;
	[tilespmem:s17+$0xFFFFFCC0] =	vst v16  }
0x2d: {  	v16 =	vperm.xlane v18, v1;
	[tilespmem:s17+$0xFFFFFCE0] =	vst v15  }
0x2e: {  	v15 =	vperm.xlane v18, v3;
	[tilespmem:s17+$0xFFFFFC30] =	vst v17  }
0x2f: {  	v17 =	vperm.xlane v18, v5;
	[tilespmem:s17+$0xFFFFFC20] =	vst v16  }
0x30: {  	v16 =	vperm.xlane v18, v4;
	[tilespmem:s17+$0xFFFFFC40] =	vst v15  }
0x31: {  	v15 =	vperm.xlane v18, v6;
	[tilespmem:s17+$0xFFFFFC60] =	vst v17  }
0x32: {  	v17 =	vperm.xlane v18, v10;
	[tilespmem:s17+$0xFFFFFC50] =	vst v16  }
0x33: {  	v16 =	vperm.xlane v18, v7;
	[tilespmem:s17+$0xFFFFFC70] =	vst v15  }
0x34: {  	v15 =	vperm.xlane v18, v11;
	[tilespmem:s17+$0xFFFFFC90] =	vst v17  }
0x35: {  	v17 =	vperm.xlane v18, v13;
	[tilespmem:s17+$0xFFFFFC80] =	vst v16  }
0x36: {  	v16 =	vperm.xlane v18, v12;
	[tilespmem:s17+$0x20] =	vst v15  }
0x37: {  	v15 =	vperm.xlane v18, v8;
	[tilespmem:s17+$0x40] =	vst v17  }
0x38: {  	v17 =	vperm.xlane v14, v6;
	[tilespmem:s17+$0x30] =	vst v16  }
0x39: {  	v16 =	vperm.xlane v18, v9;
	[tilespmem:s17+$0x50] =	vst v15  }
0x3a: {  	v18 =	vperm.xlane v14, v11;
	[tilespmem:s17+$0xFFFFFCF0] =	vst v17  }
0x3b: {  	v15 =	vperm.xlane v14, v7;
	[tilespmem:s17+$0x58] =	vst v16  }
0x3c: {  	v17 =	vld [tilespmem:s31+$0xFFFFFF00];
	v16 =	vperm.xlane v14, v10;
	[tilespmem:s17+$0xA0] =	vst v18  }
0x3d: {  	v18 =	vperm.xlane v14, v8;
	[tilespmem:s17+$0xFFFFFD00] =	vst v15  }
0x3e: {  	v15 =	vperm.xlane v14, v12;
	[tilespmem:s17+$0xFFFFFD10] =	vst v16  }
0x3f: {  	v16 =	vperm.xlane v14, v13;
	[tilespmem:s17+$0xD0] =	vst v18  }
0x40: {  	v14 =	vperm.xlane v14, v9;
	[tilespmem:s17+$0xB0] =	vst v15  }
0x41: {  	[tilespmem:s17+$0xC0] =	vst v16;
	v15 =	vperm.xlane v17, v1  }
0x42: {  	v16 =	vperm.xlane v17, v2;
	[tilespmem:s17+$0xD8] =	vst v14  }
0x43: {  	v14 =	vperm.xlane v17, v3;
	[tilespmem:s17+$0xFFFFFD20] =	vst v15  }
0x44: {  	v18 =	vperm.xlane v17, v11;
	[tilespmem:s17+$0xFFFFFD30] =	vst v16  }
0x45: {  	v15 =	vperm.xlane v17, v4;
	[tilespmem:s17+$0xFFFFFD40] =	vst v14  }
0x46: {  	v16 =	vperm.xlane v17, v5;
	[tilespmem:s17+$0x120] =	vst v18  }
0x47: {  	v14 =	vperm.xlane v17, v6;
	[tilespmem:s17+$0xFFFFFD50] =	vst v15  }
0x48: {  	v18 =	vperm.xlane v17, v8;
	[tilespmem:s17+$0xFFFFFD60] =	vst v16  }
0x49: {  	v15 =	vperm.xlane v17, v7;
	[tilespmem:s17+$0xFFFFFD70] =	vst v14;
	v14 =	vld [tilespmem:s31+$0xFFFFFF80]  }
0x4a: {  	v16 =	vperm.xlane v17, v10;
	[tilespmem:s17+$0x150] =	vst v18  }
0x4b: {  	[tilespmem:s17+$0xFFFFFD80] =	vst v15;
	v15 =	vperm.xlane v17, v12  }
0x4c: {  	[tilespmem:s17+$0xFFFFFD90] =	vst v16;
	v16 =	vperm.xlane v17, v13  }
0x4d: {  	[tilespmem:s17+$0x130] =	vst v15;
	v15 =	vperm.xlane v17, v9  }
0x4e: {  	[tilespmem:s17+$0x140] =	vst v16;
	v16 =	vperm.xlane v14, v1  }
0x4f: {  	v17 =	vperm.xlane v14, v2;
	[tilespmem:s17+$0x158] =	vst v15  }
0x50: {  	v18 =	vperm.xlane v14, v11;
	[tilespmem:s17+$0xFFFFFDA0] =	vst v16  }
0x51: {  	v15 =	vperm.xlane v14, v3;
	[tilespmem:s17+$0xFFFFFDB0] =	vst v17  }
0x52: {  	v16 =	vperm.xlane v14, v4;
	[tilespmem:s17+$0x1A0] =	vst v18  }
0x53: {  	v17 =	vperm.xlane v14, v5;
	[tilespmem:s17+$0xFFFFFDC0] =	vst v15  }
0x54: {  	v15 =	vperm.xlane v14, v6;
	[tilespmem:s17+$0xFFFFFDD0] =	vst v16  }
0x55: {  	v18 =	vperm.xlane v14, v8;
	[tilespmem:s17+$0xFFFFFDE0] =	vst v17  }
0x56: {  	v16 =	vperm.xlane v14, v7;
	[tilespmem:s17+$0xFFFFFDF0] =	vst v15;
	v15 =	vld [tilespmem:s31+$0x0]  }
0x57: {  	v17 =	vperm.xlane v14, v10;
	[tilespmem:s17+$0x1D0] =	vst v18  }
0x58: {  	[tilespmem:s17+$0xFFFFFE00] =	vst v16;
	v16 =	vperm.xlane v14, v12  }
0x59: {  	[tilespmem:s17+$0xFFFFFE10] =	vst v17;
	v17 =	vperm.xlane v14, v13  }
0x5a: {  	v14 =	vperm.xlane v14, v9;
	[tilespmem:s17+$0x1B0] =	vst v16  }
0x5b: {  	[tilespmem:s17+$0x1C0] =	vst v17;
	v16 =	vperm.xlane v15, v1  }
0x5c: {  	[tilespmem:s17+$0x1D8] =	vst v14;
	v17 =	vperm.xlane v15, v2  }
0x5d: {  	v14 =	vperm.xlane v15, v3;
	[tilespmem:s17+$0xFFFFFE20] =	vst v16  }
0x5e: {  	v18 =	vperm.xlane v15, v11;
	[tilespmem:s17+$0xFFFFFE30] =	vst v17  }
0x5f: {  	v16 =	vperm.xlane v15, v4;
	[tilespmem:s17+$0xFFFFFE40] =	vst v14  }
0x60: {  	v17 =	vperm.xlane v15, v5;
	[tilespmem:s17+$0x220] =	vst v18  }
0x61: {  	v14 =	vperm.xlane v15, v6;
	[tilespmem:s17+$0xFFFFFE50] =	vst v16  }
0x62: {  	v18 =	vperm.xlane v15, v8;
	[tilespmem:s17+$0xFFFFFE60] =	vst v17  }
0x63: {  	v16 =	vperm.xlane v15, v7;
	[tilespmem:s17+$0xFFFFFE70] =	vst v14;
	v14 =	vld [tilespmem:s31+$0x80]  }
0x64: {  	v17 =	vperm.xlane v15, v10;
	[tilespmem:s17+$0x250] =	vst v18  }
0x65: {  	[tilespmem:s17+$0xFFFFFE80] =	vst v16;
	v16 =	vperm.xlane v15, v12  }
0x66: {  	[tilespmem:s17+$0xFFFFFE90] =	vst v17;
	v17 =	vperm.xlane v15, v13  }
0x67: {  	v15 =	vperm.xlane v15, v9;
	[tilespmem:s17+$0x230] =	vst v16  }
0x68: {  	[tilespmem:s17+$0x240] =	vst v17;
	v16 =	vperm.xlane v14, v1  }
0x69: {  	[tilespmem:s17+$0x258] =	vst v15;
	v17 =	vperm.xlane v14, v2  }
0x6a: {  	v15 =	vperm.xlane v14, v3;
	[tilespmem:s17+$0xFFFFFEA0] =	vst v16  }
0x6b: {  	v18 =	vperm.xlane v14, v11;
	[tilespmem:s17+$0xFFFFFEB0] =	vst v17  }
0x6c: {  	v16 =	vperm.xlane v14, v4;
	[tilespmem:s17+$0xFFFFFEC0] =	vst v15  }
0x6d: {  	v17 =	vperm.xlane v14, v5;
	[tilespmem:s17+$0x2A0] =	vst v18  }
0x6e: {  	v15 =	vperm.xlane v14, v6;
	[tilespmem:s17+$0xFFFFFED0] =	vst v16  }
0x6f: {  	v18 =	vperm.xlane v14, v8;
	[tilespmem:s17+$0xFFFFFEE0] =	vst v17  }
0x70: {  	v16 =	vperm.xlane v14, v7;
	[tilespmem:s17+$0xFFFFFEF0] =	vst v15;
	v15 =	vld [tilespmem:s31+$0x100]  }
0x71: {  	v17 =	vperm.xlane v14, v10;
	[tilespmem:s17+$0x2D0] =	vst v18  }
0x72: {  	[tilespmem:s17+$0xFFFFFF00] =	vst v16;
	v16 =	vperm.xlane v14, v12  }
0x73: {  	[tilespmem:s17+$0xFFFFFF10] =	vst v17;
	v17 =	vperm.xlane v14, v13  }
0x74: {  	v14 =	vperm.xlane v14, v9;
	[tilespmem:s17+$0x2B0] =	vst v16  }
0x75: {  	[tilespmem:s17+$0x2C0] =	vst v17;
	v16 =	vperm.xlane v15, v1  }
0x76: {  	[tilespmem:s17+$0x2D8] =	vst v14;
	v17 =	vperm.xlane v15, v2  }
0x77: {  	v14 =	vperm.xlane v15, v3;
	[tilespmem:s17+$0xFFFFFF20] =	vst v16  }
0x78: {  	v16 =	vperm.xlane v15, v4;
	[tilespmem:s17+$0xFFFFFF30] =	vst v17  }
0x79: {  	v17 =	vperm.xlane v15, v5;
	[tilespmem:s17+$0xFFFFFF40] =	vst v14  }
0x7a: {  	v14 =	vperm.xlane v15, v6;
	[tilespmem:s17+$0xFFFFFF50] =	vst v16  }
0x7b: {  	v16 =	vperm.xlane v15, v7;
	[tilespmem:s17+$0xFFFFFF60] =	vst v17  }
0x7c: {  	v17 =	vperm.xlane v15, v10;
	[tilespmem:s17+$0xFFFFFF70] =	vst v14  }
0x7d: {  	v14 =	vperm.xlane v15, v11;
	[tilespmem:s17+$0xFFFFFF80] =	vst v16  }
0x7e: {  	[tilespmem:s17+$0xFFFFFF90] =	vst v17  }
0x7f: {  	v16 =	vperm.xlane v15, v12;
	[tilespmem:s17+$0x320] =	vst v14  }
0x80: {  	[tilespmem:$0x1FF30] =	vst v8  }
0x81: {  	v17 =	vperm.xlane v15, v13;
	[tilespmem:s17+$0x330] =	vst v16  }
0x82: {  	[tilespmem:$0x1FF40] =	vst v9  }
0x83: {  	v14 =	vperm.xlane v15, v8;
	[tilespmem:s17+$0x340] =	vst v17  }
0x84: {  	[tilespmem:$0x1FF50] =	vst v1  }
0x85: {  	[tilespmem:s17+$0x350] =	vst v14  }
0x86: {  	v15 =	vperm.xlane v15, v9;
	[tilespmem:$0x1FF60] =	vst v2  }
0x87: {  	[tilespmem:$0x1FF70] =	vst v3  }
0x88: {  	[tilespmem:s17+$0x358] =	vst v15  }
0x89: {  	v16 =	vperm.xlane v0, v1;
	[tilespmem:$0x1FF80] =	vst v4  }
0x8a: {  	[tilespmem:$0x1FF90] =	vst v5  }
0x8b: {  	[tilespmem:s17+$0xFFFFFFA0] =	vst v16  }
0x8c: {  	v14 =	vperm.xlane v0, v2;
	[tilespmem:$0x1FFA0] =	vst v6  }
0x8d: {  	[tilespmem:$0x1FFB0] =	vst v7  }
0x8e: {  	v18 =	vperm.xlane v0, v3;
	[tilespmem:s17+$0xFFFFFFB0] =	vst v14  }
0x8f: {  	[tilespmem:$0x1FFC0] =	vst v10  }
0x90: {  	v19 =	vperm.xlane v0, v4;
	[tilespmem:s17+$0xFFFFFFC0] =	vst v18  }
0x91: {  	v20 =	vperm.xlane v0, v5;
	[tilespmem:$0x1FFD0] =	vst v11  }
0x92: {  	v21 =	vperm.xlane v0, v6;
	v17 =	vperm.xlane v0, v10;
	[tilespmem:s17+$0xFFFFFFD0] =	vst v19  }
0x93: {  	v15 =	vperm.xlane v0, v7;
	v16 =	vperm.xlane v0, v11;
	[tilespmem:$0x1FFE0] =	vst v12  }
0x94: {  	s19 =	simm.s32 $0x0;
	s20 =	simm.s32 $0x8600;
	s18 =	sshll.u32 s15, $0x1;
	v18 =	vperm.xlane v0, v13;
	v19 =	vperm.xlane v0, v12;
	[tilespmem:$0x1FFF0] =	vst v13  }
.LBB2_3:
0x95: {  	v14 =	vld [tilespmem:s20+$0x180]  }
0x96: {  	v22 =	vld [tilespmem:s20+$0xFFFFFF80]  }
0x97: {  	v0 =	vld [tilespmem:$0x1FF50];
	[tilespmem:s17+$0xFFFFFFE0] =	vst v20  }
0x98: {  	v4 =	vld [tilespmem:$0x1FF30];
	[tilespmem:s17+$0xFFFFFFF0] =	vst v21  }
0x99: {  	v5 =	vld [tilespmem:$0x1FF60];
	[tilespmem:s17+$0x0] =	vst v15  }
0x9a: {  	v7 =	vld [tilespmem:$0x1FF80];
	[tilespmem:s17+$0x10] =	vst v17  }
0x9b: {  	v9 =	vld [tilespmem:$0x1FFA0];
	[tilespmem:s17+$0x3A0] =	vst v16  }
0x9c: {  	v12 =	vld [tilespmem:$0x1FFC0];
	[tilespmem:s17+$0x3B0] =	vst v19;
	v1 =	vperm.xlane v14, v0  }
0x9d: {  	v2 =	vld [tilespmem:$0x1FFE0];
	[tilespmem:s17+$0x3C0] =	vst v18;
	v23 =	vperm.xlane v14, v4  }
0x9e: {  	s17 =	sadd.s32 $0x800, s17;
	v41 =	vperm.xlane v22, v5;
	[tilespmem:$0x1FF20] =	vst v1  }
0x9f: {  	v11 =	vld [tilespmem:$0x1FF40];
	v42 =	vperm.xlane v22, v7;
	[tilespmem:s17+$0x3D0] =	vst v23  }
0xa0: {  	v20 =	vld [tilespmem:s20+$0xFFFFFE80];
	v43 =	vperm.xlane v22, v9;
	[tilespmem:s17+$0xFFFFFDB0] =	vst v41  }
0xa1: {  	v44 =	vperm.xlane v22, v12;
	[tilespmem:s17+$0xFFFFFDD0] =	vst v42  }
0xa2: {  	v6 =	vld [tilespmem:$0x1FF70];
	v45 =	vperm.xlane v22, v2;
	[tilespmem:s17+$0xFFFFFDF0] =	vst v43  }
0xa3: {  	v8 =	vld [tilespmem:$0x1FF90];
	v46 =	vperm.xlane v22, v4;
	[tilespmem:s17+$0xFFFFFE10] =	vst v44  }
0xa4: {  	v18 =	vld [tilespmem:s20+$0xFFFFFE00];
	v24 =	vperm.xlane v14, v11;
	[tilespmem:s17+$0x1B0] =	vst v45  }
0xa5: {  	v19 =	vperm.xlane v20, v0;
	[tilespmem:s17+$0x1D0] =	vst v46  }
0xa6: {  	v25 =	vperm.xlane v20, v5;
	[tilespmem:s17+$0x3D8] =	vst v24  }
0xa7: {  	v26 =	vperm.xlane v20, v6;
	[tilespmem:s17+$0xFFFFFCA0] =	vst v19  }
0xa8: {  	v27 =	vperm.xlane v20, v8;
	[tilespmem:s17+$0xFFFFFCB0] =	vst v25  }
0xa9: {  	v10 =	vld [tilespmem:$0x1FFB0];
	v30 =	vperm.xlane v18, v0;
	[tilespmem:s17+$0xFFFFFCC0] =	vst v26  }
0xaa: {  	v31 =	vperm.xlane v18, v5;
	[tilespmem:s17+$0xFFFFFCE0] =	vst v27  }
0xab: {  	v32 =	vperm.xlane v18, v7;
	[tilespmem:s17+$0xFFFFFC20] =	vst v30  }
0xac: {  	v3 =	vld [tilespmem:$0x1FFF0];
	v54 =	vperm.xlane v18, v8;
	[tilespmem:s17+$0xFFFFFC30] =	vst v31  }
0xad: {  	v55 =	vperm.xlane v18, v9;
	[tilespmem:s17+$0xFFFFFC50] =	vst v32  }
0xae: {  	v56 =	vperm.xlane v18, v10;
	[tilespmem:s17+$0xFFFFFC60] =	vst v54  }
0xaf: {  	v33 =	vperm.xlane v18, v12;
	[tilespmem:s17+$0xFFFFFC70] =	vst v55  }
0xb0: {  	v34 =	vperm.xlane v18, v2;
	[tilespmem:s17+$0xFFFFFC80] =	vst v56  }
0xb1: {  	v57 =	vperm.xlane v18, v3;
	[tilespmem:s17+$0xFFFFFC90] =	vst v33  }
0xb2: {  	v35 =	vperm.xlane v18, v4;
	[tilespmem:s17+$0x30] =	vst v34  }
0xb3: {  	v21 =	vld [tilespmem:s20+$0xFFFFFF00];
	v51 =	vperm.xlane v20, v10;
	[tilespmem:s17+$0x40] =	vst v57  }
0xb4: {  	v52 =	vperm.xlane v20, v12;
	[tilespmem:s17+$0x50] =	vst v35  }
0xb5: {  	v53 =	vperm.xlane v20, v2;
	[tilespmem:s17+$0xFFFFFD00] =	vst v51  }
0xb6: {  	v29 =	vperm.xlane v20, v3;
	[tilespmem:s17+$0xFFFFFD10] =	vst v52  }
0xb7: {  	v58 =	vperm.xlane v20, v4;
	[tilespmem:s17+$0xB0] =	vst v53  }
0xb8: {  	v59 =	vperm.xlane v21, v0;
	[tilespmem:s17+$0xC0] =	vst v29  }
0xb9: {  	v60 =	vperm.xlane v21, v5;
	[tilespmem:s17+$0xD0] =	vst v58  }
0xba: {  	v36 =	vperm.xlane v21, v6;
	[tilespmem:s17+$0xFFFFFD20] =	vst v59  }
0xbb: {  	v61 =	vperm.xlane v21, v7;
	[tilespmem:s17+$0xFFFFFD30] =	vst v60  }
0xbc: {  	v15 =	vld [tilespmem:s20+$0x100];
	v37 =	vperm.xlane v21, v8;
	[tilespmem:s17+$0xFFFFFD40] =	vst v36  }
0xbd: {  	v17 =	vld [tilespmem:s20+$0x0];
	v38 =	vperm.xlane v21, v10;
	[tilespmem:s17+$0xFFFFFD50] =	vst v61  }
0xbe: {  	v62 =	vperm.xlane v21, v12;
	[tilespmem:s17+$0xFFFFFD60] =	vst v37  }
0xbf: {  	v63 =	vperm.xlane v21, v2;
	[tilespmem:s17+$0xFFFFFD80] =	vst v38  }
0xc0: {  	v40 =	vperm.xlane v21, v3;
	[tilespmem:s17+$0xFFFFFD90] =	vst v62  }
0xc1: {  	v13 =	vperm.xlane v15, v10;
	[tilespmem:s17+$0x130] =	vst v63  }
0xc2: {  	v47 =	vperm.xlane v17, v6;
	[tilespmem:s17+$0x140] =	vst v40  }
0xc3: {  	v48 =	vperm.xlane v17, v7;
	[tilespmem:$0x1FEF0] =	vst v13  }
0xc4: {  	v49 =	vperm.xlane v17, v8;
	[tilespmem:s17+$0xFFFFFE40] =	vst v47  }
0xc5: {  	v50 =	vperm.xlane v17, v10;
	[tilespmem:s17+$0xFFFFFE50] =	vst v48  }
0xc6: {  	v23 =	vperm.xlane v20, v7;
	[tilespmem:s17+$0xFFFFFE60] =	vst v49  }
0xc7: {  	v41 =	vperm.xlane v15, v12;
	[tilespmem:s17+$0xFFFFFE80] =	vst v50  }
0xc8: {  	v42 =	vperm.xlane v15, v4;
	[tilespmem:s17+$0xFFFFFCD0] =	vst v23  }
0xc9: {  	v19 =	vperm.xlane v20, v9;
	[tilespmem:s17+$0xFFFFFF90] =	vst v41  }
0xca: {  	v35 =	vperm.xlane v21, v4;
	[tilespmem:s17+$0x350] =	vst v42  }
0xcb: {  	v24 =	vperm.xlane v22, v8;
	[tilespmem:s17+$0xFFFFFCF0] =	vst v19  }
0xcc: {  	v25 =	vperm.xlane v22, v10;
	[tilespmem:s17+$0x150] =	vst v35  }
0xcd: {  	v26 =	vperm.xlane v22, v3;
	[tilespmem:s17+$0xFFFFFDE0] =	vst v24  }
0xce: {  	v29 =	vperm.xlane v17, v0;
	[tilespmem:s17+$0xFFFFFE00] =	vst v25  }
0xcf: {  	v27 =	vperm.xlane v17, v5;
	[tilespmem:s17+$0x1C0] =	vst v26  }
0xd0: {  	v16 =	vld [tilespmem:s20+$0x80];
	v30 =	vperm.xlane v17, v9;
	[tilespmem:s17+$0xFFFFFE20] =	vst v29  }
0xd1: {  	v31 =	vperm.xlane v17, v12;
	[tilespmem:s17+$0xFFFFFE30] =	vst v27  }
0xd2: {  	v36 =	vperm.xlane v17, v2;
	[tilespmem:s17+$0xFFFFFE70] =	vst v30  }
0xd3: {  	v52 =	vperm.xlane v17, v3;
	[tilespmem:s17+$0xFFFFFE90] =	vst v31  }
0xd4: {  	v33 =	vperm.xlane v17, v4;
	[tilespmem:s17+$0x230] =	vst v36  }
0xd5: {  	v37 =	vperm.xlane v16, v0;
	[tilespmem:s17+$0x240] =	vst v52  }
0xd6: {  	v54 =	vperm.xlane v16, v5;
	[tilespmem:s17+$0x250] =	vst v33  }
0xd7: {  	v55 =	vperm.xlane v16, v7;
	[tilespmem:s17+$0xFFFFFEA0] =	vst v37  }
0xd8: {  	v38 =	vperm.xlane v16, v8;
	[tilespmem:s17+$0xFFFFFEB0] =	vst v54  }
0xd9: {  	v56 =	vperm.xlane v16, v9;
	[tilespmem:s17+$0xFFFFFED0] =	vst v55  }
0xda: {  	v34 =	vperm.xlane v16, v10;
	[tilespmem:s17+$0xFFFFFEE0] =	vst v38  }
0xdb: {  	v57 =	vperm.xlane v16, v12;
	[tilespmem:s17+$0xFFFFFEF0] =	vst v56  }
0xdc: {  	v58 =	vperm.xlane v16, v2;
	[tilespmem:s17+$0xFFFFFF00] =	vst v34  }
0xdd: {  	v32 =	vperm.xlane v16, v3;
	[tilespmem:s17+$0xFFFFFF10] =	vst v57  }
0xde: {  	v59 =	vperm.xlane v16, v4;
	[tilespmem:s17+$0x2B0] =	vst v58  }
0xdf: {  	v60 =	vperm.xlane v15, v0;
	[tilespmem:s17+$0x2C0] =	vst v32  }
0xe0: {  	v61 =	vperm.xlane v15, v6;
	[tilespmem:s17+$0x2D0] =	vst v59  }
0xe1: {  	v62 =	vperm.xlane v15, v7;
	[tilespmem:s17+$0xFFFFFF20] =	vst v60  }
0xe2: {  	v63 =	vperm.xlane v15, v8;
	[tilespmem:s17+$0xFFFFFF40] =	vst v61  }
0xe3: {  	v4 =	vperm.xlane v15, v11;
	[tilespmem:s17+$0xFFFFFF50] =	vst v62  }
0xe4: {  	v23 =	vperm.xlane v18, v6;
	[tilespmem:s17+$0xFFFFFF60] =	vst v63  }
0xe5: {  	v53 =	vperm.xlane v17, v11;
	[tilespmem:s17+$0x358] =	vst v4  }
0xe6: {  	v1 =	vld [tilespmem:$0x1FFD0];
	v40 =	vperm.xlane v16, v11;
	[tilespmem:s17+$0xFFFFFC40] =	vst v23  }
0xe7: {  	v19 =	vperm.xlane v22, v6;
	[tilespmem:s17+$0x258] =	vst v53  }
0xe8: {  	v35 =	vperm.xlane v15, v5;
	[tilespmem:s17+$0x2D8] =	vst v40  }
0xe9: {  	v24 =	vperm.xlane v14, v5;
	[tilespmem:s17+$0xFFFFFDC0] =	vst v19  }
0xea: {  	v5 =	vperm.xlane v14, v6;
	[tilespmem:s17+$0xFFFFFF30] =	vst v35  }
0xeb: {  	v23 =	vperm.xlane v18, v1;
	[tilespmem:s17+$0xFFFFFFB0] =	vst v24  }
0xec: {  	v18 =	vperm.xlane v18, v11;
	[tilespmem:s17+$0xFFFFFFC0] =	vst v5  }
0xed: {  	v28 =	vperm.xlane v20, v1;
	[tilespmem:s17+$0x20] =	vst v23  }
0xee: {  	v20 =	vperm.xlane v20, v11;
	[tilespmem:s17+$0x58] =	vst v18  }
0xef: {  	v60 =	vld [tilespmem:$0x1FEF0];
	v39 =	vperm.xlane v21, v1;
	[tilespmem:s17+$0xA0] =	vst v28  }
0xf0: {  	v63 =	vld [tilespmem:$0x1FF20];
	v13 =	vperm.xlane v15, v1;
	[tilespmem:s17+$0xD8] =	vst v20  }
0xf1: {  	v51 =	vperm.xlane v17, v1;
	[tilespmem:s17+$0x120] =	vst v39  }
0xf2: {  	[tilespmem:$0x1FF00] =	vst v13  }
0xf3: {  	[tilespmem:s17+$0x220] =	vst v51  }
0xf4: {  	v23 =	vperm.xlane v21, v9;
	[tilespmem:s17+$0xFFFFFF80] =	vst v60  }
0xf5: {  	v21 =	vperm.xlane v21, v11;
	[tilespmem:s17+$0xFFFFFFA0] =	vst v63  }
0xf6: {  	v18 =	vperm.xlane v22, v0;
	[tilespmem:s17+$0xFFFFFD70] =	vst v23  }
0xf7: {  	v28 =	vperm.xlane v22, v1;
	[tilespmem:s17+$0x158] =	vst v21  }
0xf8: {  	v22 =	vperm.xlane v22, v11;
	[tilespmem:s17+$0xFFFFFDA0] =	vst v18  }
0xf9: {  	v39 =	vperm.xlane v16, v1;
	[tilespmem:s17+$0x1A0] =	vst v28  }
0xfa: {  	v23 =	vperm.xlane v16, v6;
	v16 =	vperm.xlane v15, v3;
	[tilespmem:s17+$0x1D8] =	vst v22  }
0xfb: {  	v0 =	vperm.xlane v15, v9;
	[tilespmem:s17+$0x2A0] =	vst v39  }
0xfc: {  	s19 =	sadd.s32 $0x8, s19;
	v13 =	vperm.xlane v15, v2;
	v61 =	vld [tilespmem:$0x1FF00];
	[tilespmem:$0x1FF10] =	vst v16  }
0xfd: {  	p1 =	slt.u32 s19, $0x78;
	v11 =	vperm.xlane v14, v7;
	[tilespmem:s17+$0xFFFFFF70] =	vst v0;
	v62 =	vld [tilespmem:$0x1FF10]  }
.Ltmp0:
0xfe: {  	[tilespmem:s17+$0x330] =	vst v13;
	(pc) =	sbr.rel @p1 .LBB2_3-.Ltmp0, $4  }
0xff: {  	v17 =	vperm.xlane v14, v12;
	[tilespmem:s17+$0xFFFFFFD0] =	vst v11  }
0x100: {  	v19 =	vperm.xlane v14, v2;
	v20 =	vperm.xlane v14, v8;
	[tilespmem:s17+$0xFFFFFEC0] =	vst v23  }
0x101: {  	v21 =	vperm.xlane v14, v9;
	v15 =	vperm.xlane v14, v10;
	[tilespmem:s17+$0x320] =	vst v61  }
0x102: {  	s20 =	sadd.s32 $0x400, s20;
	v18 =	vperm.xlane v14, v3;
	v16 =	vperm.xlane v14, v1;
	[tilespmem:s17+$0x340] =	vst v62  }
0x103: {  	[tilespmem:s17+$0xFFFFFFE0] =	vst v20  }
0x104: {  	[tilespmem:s17+$0xFFFFFFF0] =	vst v21  }
0x105: {  	[tilespmem:s17+$0x0] =	vst v15  }
0x106: {  	[tilespmem:s17+$0x10] =	vst v17  }
0x107: {  	s19 =	sadd.s32 s4, s18;
	[tilespmem:s17+$0x3B0] =	vst v19  }
0x108: {  	[tilespmem:s17+$0x3A0] =	vst v16;
	s19 =	sshll.u32 s19, $0xC  }
0x109: {  	[tilespmem:s17+$0x3C0] =	vst v18;
	s17 =	sor.u32 $0x1, s18;
	s18 =	simm.s32 @!p0 $0x2;
	s29 =	sadd.s32 s5, s19  }
0x10a: {  	[hbm4b:s29+s3] =	stream.linear.scatter [tilespmem:s10], [sflag:$0x1], $0x8000, $0x38;
	[tilespmem:$0x1C000] =	vst v63  }
0x10b: {  	s30 =	sshll.u32 s17, $0x7;
	_ =	swait.ge @!p0 [sflag:s18], $0x8000  }
0x10c: {  	s19 =	sand.u32 $0x380, s30;
	[sflag:s18] =	ssyncset.done @!p0 $0x0  }
0x10d: {  	s16 =	sadd.s32 s19, s16;
	[sflag:s18] =	ssyncadd.s32 @!p0 $0xFFFF8000  }
0x10e: {  	v1 =	vld [tilespmem:s16+$0x0]  }
0x10f: {  	v2 =	vld [tilespmem:s16+$0x10]  }
0x110: {  	v3 =	vld [tilespmem:s16+$0x20]  }
0x111: {  	v4 =	vld [tilespmem:s16+$0x30]  }
0x112: {  	v5 =	vld [tilespmem:s16+$0x40]  }
0x113: {  	v6 =	vld [tilespmem:s16+$0x50]  }
0x114: {  	v7 =	vld [tilespmem:s16+$0x60]  }
0x115: {  	s31 =	simm.s32 $0x8200;
	v8 =	vld [tilespmem:s16+$0x430]  }
0x116: {  	v0 =	vld [tilespmem:s31+$0x180]  }
0x117: {  	v14 =	vld [tilespmem:s31+$0xFFFFFE80]  }
0x118: {  	v9 =	vld [tilespmem:s16+$0x438]  }
0x119: {  	v10 =	vld [tilespmem:s16+$0x70]  }
0x11a: {  	v11 =	vld [tilespmem:s16+$0x400]  }
0x11b: {  	v12 =	vld [tilespmem:s16+$0x410];
	v15 =	vperm.xlane v0, v8  }
0x11c: {  	v13 =	vld [tilespmem:s16+$0x420];
	s16 =	simm.s32 $0x143E0;
	v17 =	vperm.xlane v14, v1  }
0x11d: {  	v18 =	vld [tilespmem:s31+$0xFFFFFE00];
	v16 =	vperm.xlane v0, v9;
	[tilespmem:s16+$0x3D0] =	vst v15  }
0x11e: {  	v15 =	vperm.xlane v14, v2;
	[tilespmem:s16+$0xFFFFFCA0] =	vst v17  }
0x11f: {  	v17 =	vperm.xlane v14, v4;
	[tilespmem:s16+$0x3D8] =	vst v16  }
0x120: {  	v16 =	vperm.xlane v14, v3;
	[tilespmem:s16+$0xFFFFFCB0] =	vst v15  }
0x121: {  	v15 =	vperm.xlane v14, v5;
	[tilespmem:s16+$0xFFFFFCD0] =	vst v17  }
0x122: {  	v17 =	vperm.xlane v18, v2;
	[tilespmem:s16+$0xFFFFFCC0] =	vst v16  }
0x123: {  	v16 =	vperm.xlane v18, v1;
	[tilespmem:s16+$0xFFFFFCE0] =	vst v15  }
0x124: {  	v15 =	vperm.xlane v18, v3;
	[tilespmem:s16+$0xFFFFFC30] =	vst v17  }
0x125: {  	v17 =	vperm.xlane v18, v5;
	[tilespmem:s16+$0xFFFFFC20] =	vst v16  }
0x126: {  	v16 =	vperm.xlane v18, v4;
	[tilespmem:s16+$0xFFFFFC40] =	vst v15  }
0x127: {  	v15 =	vperm.xlane v18, v6;
	[tilespmem:s16+$0xFFFFFC60] =	vst v17  }
0x128: {  	v17 =	vperm.xlane v18, v10;
	[tilespmem:s16+$0xFFFFFC50] =	vst v16  }
0x129: {  	v16 =	vperm.xlane v18, v7;
	[tilespmem:s16+$0xFFFFFC70] =	vst v15  }
0x12a: {  	v15 =	vperm.xlane v18, v11;
	[tilespmem:s16+$0xFFFFFC90] =	vst v17  }
0x12b: {  	v17 =	vperm.xlane v18, v13;
	[tilespmem:s16+$0xFFFFFC80] =	vst v16  }
0x12c: {  	v16 =	vperm.xlane v18, v12;
	[tilespmem:s16+$0x20] =	vst v15  }
0x12d: {  	v15 =	vperm.xlane v18, v8;
	[tilespmem:s16+$0x40] =	vst v17  }
0x12e: {  	v17 =	vperm.xlane v14, v6;
	[tilespmem:s16+$0x30] =	vst v16  }
0x12f: {  	v16 =	vperm.xlane v18, v9;
	[tilespmem:s16+$0x50] =	vst v15  }
0x130: {  	v18 =	vperm.xlane v14, v11;
	[tilespmem:s16+$0xFFFFFCF0] =	vst v17  }
0x131: {  	v15 =	vperm.xlane v14, v7;
	[tilespmem:s16+$0x58] =	vst v16  }
0x132: {  	v17 =	vld [tilespmem:s31+$0xFFFFFF00];
	v16 =	vperm.xlane v14, v10;
	[tilespmem:s16+$0xA0] =	vst v18  }
0x133: {  	v18 =	vperm.xlane v14, v8;
	[tilespmem:s16+$0xFFFFFD00] =	vst v15  }
0x134: {  	v15 =	vperm.xlane v14, v12;
	[tilespmem:s16+$0xFFFFFD10] =	vst v16  }
0x135: {  	v16 =	vperm.xlane v14, v13;
	[tilespmem:s16+$0xD0] =	vst v18  }
0x136: {  	v14 =	vperm.xlane v14, v9;
	[tilespmem:s16+$0xB0] =	vst v15  }
0x137: {  	[tilespmem:s16+$0xC0] =	vst v16;
	v15 =	vperm.xlane v17, v1  }
0x138: {  	v16 =	vperm.xlane v17, v2;
	[tilespmem:s16+$0xD8] =	vst v14  }
0x139: {  	v14 =	vperm.xlane v17, v3;
	[tilespmem:s16+$0xFFFFFD20] =	vst v15  }
0x13a: {  	v18 =	vperm.xlane v17, v11;
	[tilespmem:s16+$0xFFFFFD30] =	vst v16  }
0x13b: {  	v15 =	vperm.xlane v17, v4;
	[tilespmem:s16+$0xFFFFFD40] =	vst v14  }
0x13c: {  	v16 =	vperm.xlane v17, v5;
	[tilespmem:s16+$0x120] =	vst v18  }
0x13d: {  	v14 =	vperm.xlane v17, v6;
	[tilespmem:s16+$0xFFFFFD50] =	vst v15  }
0x13e: {  	v18 =	vperm.xlane v17, v8;
	[tilespmem:s16+$0xFFFFFD60] =	vst v16  }
0x13f: {  	v15 =	vperm.xlane v17, v7;
	[tilespmem:s16+$0xFFFFFD70] =	vst v14;
	v14 =	vld [tilespmem:s31+$0xFFFFFF80]  }
0x140: {  	v16 =	vperm.xlane v17, v10;
	[tilespmem:s16+$0x150] =	vst v18  }
0x141: {  	[tilespmem:s16+$0xFFFFFD80] =	vst v15;
	v15 =	vperm.xlane v17, v12  }
0x142: {  	[tilespmem:s16+$0xFFFFFD90] =	vst v16;
	v16 =	vperm.xlane v17, v13  }
0x143: {  	[tilespmem:s16+$0x130] =	vst v15;
	v15 =	vperm.xlane v17, v9  }
0x144: {  	[tilespmem:s16+$0x140] =	vst v16;
	v16 =	vperm.xlane v14, v1  }
0x145: {  	v17 =	vperm.xlane v14, v2;
	[tilespmem:s16+$0x158] =	vst v15  }
0x146: {  	v18 =	vperm.xlane v14, v11;
	[tilespmem:s16+$0xFFFFFDA0] =	vst v16  }
0x147: {  	v15 =	vperm.xlane v14, v3;
	[tilespmem:s16+$0xFFFFFDB0] =	vst v17  }
0x148: {  	v16 =	vperm.xlane v14, v4;
	[tilespmem:s16+$0x1A0] =	vst v18  }
0x149: {  	v17 =	vperm.xlane v14, v5;
	[tilespmem:s16+$0xFFFFFDC0] =	vst v15  }
0x14a: {  	v15 =	vperm.xlane v14, v6;
	[tilespmem:s16+$0xFFFFFDD0] =	vst v16  }
0x14b: {  	v18 =	vperm.xlane v14, v8;
	[tilespmem:s16+$0xFFFFFDE0] =	vst v17  }
0x14c: {  	v16 =	vperm.xlane v14, v7;
	[tilespmem:s16+$0xFFFFFDF0] =	vst v15;
	v15 =	vld [tilespmem:s31+$0x0]  }
0x14d: {  	v17 =	vperm.xlane v14, v10;
	[tilespmem:s16+$0x1D0] =	vst v18  }
0x14e: {  	[tilespmem:s16+$0xFFFFFE00] =	vst v16;
	v16 =	vperm.xlane v14, v12  }
0x14f: {  	[tilespmem:s16+$0xFFFFFE10] =	vst v17;
	v17 =	vperm.xlane v14, v13  }
0x150: {  	v14 =	vperm.xlane v14, v9;
	[tilespmem:s16+$0x1B0] =	vst v16  }
0x151: {  	[tilespmem:s16+$0x1C0] =	vst v17;
	v16 =	vperm.xlane v15, v1  }
0x152: {  	[tilespmem:s16+$0x1D8] =	vst v14;
	v17 =	vperm.xlane v15, v2  }
0x153: {  	v14 =	vperm.xlane v15, v3;
	[tilespmem:s16+$0xFFFFFE20] =	vst v16  }
0x154: {  	v18 =	vperm.xlane v15, v11;
	[tilespmem:s16+$0xFFFFFE30] =	vst v17  }
0x155: {  	v16 =	vperm.xlane v15, v4;
	[tilespmem:s16+$0xFFFFFE40] =	vst v14  }
0x156: {  	v17 =	vperm.xlane v15, v5;
	[tilespmem:s16+$0x220] =	vst v18  }
0x157: {  	v14 =	vperm.xlane v15, v6;
	[tilespmem:s16+$0xFFFFFE50] =	vst v16  }
0x158: {  	v18 =	vperm.xlane v15, v8;
	[tilespmem:s16+$0xFFFFFE60] =	vst v17  }
0x159: {  	v16 =	vperm.xlane v15, v7;
	[tilespmem:s16+$0xFFFFFE70] =	vst v14;
	v14 =	vld [tilespmem:s31+$0x80]  }
0x15a: {  	v17 =	vperm.xlane v15, v10;
	[tilespmem:s16+$0x250] =	vst v18  }
0x15b: {  	[tilespmem:s16+$0xFFFFFE80] =	vst v16;
	v16 =	vperm.xlane v15, v12  }
0x15c: {  	[tilespmem:s16+$0xFFFFFE90] =	vst v17;
	v17 =	vperm.xlane v15, v13  }
0x15d: {  	v15 =	vperm.xlane v15, v9;
	[tilespmem:s16+$0x230] =	vst v16  }
0x15e: {  	[tilespmem:s16+$0x240] =	vst v17;
	v16 =	vperm.xlane v14, v1  }
0x15f: {  	[tilespmem:s16+$0x258] =	vst v15;
	v17 =	vperm.xlane v14, v2  }
0x160: {  	v15 =	vperm.xlane v14, v3;
	[tilespmem:s16+$0xFFFFFEA0] =	vst v16  }
0x161: {  	v18 =	vperm.xlane v14, v11;
	[tilespmem:s16+$0xFFFFFEB0] =	vst v17  }
0x162: {  	v16 =	vperm.xlane v14, v4;
	[tilespmem:s16+$0xFFFFFEC0] =	vst v15  }
0x163: {  	v17 =	vperm.xlane v14, v5;
	[tilespmem:s16+$0x2A0] =	vst v18  }
0x164: {  	v15 =	vperm.xlane v14, v6;
	[tilespmem:s16+$0xFFFFFED0] =	vst v16  }
0x165: {  	v18 =	vperm.xlane v14, v8;
	[tilespmem:s16+$0xFFFFFEE0] =	vst v17  }
0x166: {  	v16 =	vperm.xlane v14, v7;
	[tilespmem:s16+$0xFFFFFEF0] =	vst v15;
	v15 =	vld [tilespmem:s31+$0x100]  }
0x167: {  	v17 =	vperm.xlane v14, v10;
	[tilespmem:s16+$0x2D0] =	vst v18  }
0x168: {  	[tilespmem:s16+$0xFFFFFF00] =	vst v16;
	v16 =	vperm.xlane v14, v12  }
0x169: {  	[tilespmem:s16+$0xFFFFFF10] =	vst v17;
	v17 =	vperm.xlane v14, v13  }
0x16a: {  	v14 =	vperm.xlane v14, v9;
	[tilespmem:s16+$0x2B0] =	vst v16  }
0x16b: {  	[tilespmem:s16+$0x2C0] =	vst v17;
	v16 =	vperm.xlane v15, v1  }
0x16c: {  	[tilespmem:s16+$0x2D8] =	vst v14;
	v17 =	vperm.xlane v15, v2  }
0x16d: {  	v14 =	vperm.xlane v15, v3;
	[tilespmem:s16+$0xFFFFFF20] =	vst v16  }
0x16e: {  	v16 =	vperm.xlane v15, v4;
	[tilespmem:s16+$0xFFFFFF30] =	vst v17  }
0x16f: {  	v17 =	vperm.xlane v15, v5;
	[tilespmem:s16+$0xFFFFFF40] =	vst v14  }
0x170: {  	v14 =	vperm.xlane v15, v6;
	[tilespmem:s16+$0xFFFFFF50] =	vst v16  }
0x171: {  	v16 =	vperm.xlane v15, v7;
	[tilespmem:s16+$0xFFFFFF60] =	vst v17  }
0x172: {  	v17 =	vperm.xlane v15, v10;
	[tilespmem:s16+$0xFFFFFF70] =	vst v14  }
0x173: {  	v14 =	vperm.xlane v15, v11;
	[tilespmem:s16+$0xFFFFFF80] =	vst v16  }
0x174: {  	[tilespmem:s16+$0xFFFFFF90] =	vst v17  }
0x175: {  	v16 =	vperm.xlane v15, v12;
	[tilespmem:s16+$0x320] =	vst v14  }
0x176: {  	[tilespmem:$0x1FE20] =	vst v8  }
0x177: {  	v17 =	vperm.xlane v15, v13;
	[tilespmem:s16+$0x330] =	vst v16  }
0x178: {  	[tilespmem:$0x1FE30] =	vst v9  }
0x179: {  	v14 =	vperm.xlane v15, v8;
	[tilespmem:s16+$0x340] =	vst v17  }
0x17a: {  	[tilespmem:$0x1FE40] =	vst v1  }
0x17b: {  	[tilespmem:s16+$0x350] =	vst v14  }
0x17c: {  	v15 =	vperm.xlane v15, v9;
	[tilespmem:$0x1FE50] =	vst v2  }
0x17d: {  	[tilespmem:$0x1FE60] =	vst v3  }
0x17e: {  	[tilespmem:s16+$0x358] =	vst v15  }
0x17f: {  	v16 =	vperm.xlane v0, v1;
	[tilespmem:$0x1FE70] =	vst v4  }
0x180: {  	[tilespmem:$0x1FE80] =	vst v5  }
0x181: {  	[tilespmem:s16+$0xFFFFFFA0] =	vst v16  }
0x182: {  	v14 =	vperm.xlane v0, v2;
	[tilespmem:$0x1FE90] =	vst v6  }
0x183: {  	[tilespmem:$0x1FEA0] =	vst v7  }
0x184: {  	v18 =	vperm.xlane v0, v3;
	[tilespmem:s16+$0xFFFFFFB0] =	vst v14  }
0x185: {  	[tilespmem:$0x1FEB0] =	vst v10  }
0x186: {  	v15 =	vperm.xlane v0, v4;
	[tilespmem:s16+$0xFFFFFFC0] =	vst v18  }
0x187: {  	v20 =	vperm.xlane v0, v5;
	[tilespmem:$0x1FEC0] =	vst v11  }
0x188: {  	v21 =	vperm.xlane v0, v6;
	v19 =	vperm.xlane v0, v11;
	[tilespmem:s16+$0xFFFFFFD0] =	vst v15  }
0x189: {  	v17 =	vperm.xlane v0, v10;
	v16 =	vperm.xlane v0, v7;
	[tilespmem:$0x1FED0] =	vst v12  }
0x18a: {  	s19 =	simm.s32 $0x8600;
	s18 =	simm.s32 $0x0;
	v18 =	vperm.xlane v0, v13;
	v15 =	vperm.xlane v0, v12;
	[tilespmem:$0x1FEE0] =	vst v13  }
.LBB2_5:
0x18b: {  	v14 =	vld [tilespmem:s19+$0x180]  }
0x18c: {  	v22 =	vld [tilespmem:s19+$0xFFFFFF80]  }
0x18d: {  	v0 =	vld [tilespmem:$0x1FE40];
	[tilespmem:s16+$0xFFFFFFE0] =	vst v20  }
0x18e: {  	v4 =	vld [tilespmem:$0x1FE20];
	[tilespmem:s16+$0xFFFFFFF0] =	vst v21  }
0x18f: {  	v5 =	vld [tilespmem:$0x1FE50];
	[tilespmem:s16+$0x0] =	vst v16  }
0x190: {  	v7 =	vld [tilespmem:$0x1FE70];
	[tilespmem:s16+$0x10] =	vst v17  }
0x191: {  	v9 =	vld [tilespmem:$0x1FE90];
	[tilespmem:s16+$0x3A0] =	vst v19  }
0x192: {  	v12 =	vld [tilespmem:$0x1FEB0];
	[tilespmem:s16+$0x3B0] =	vst v15;
	v1 =	vperm.xlane v14, v0  }
0x193: {  	v2 =	vld [tilespmem:$0x1FED0];
	[tilespmem:s16+$0x3C0] =	vst v18;
	v19 =	vperm.xlane v14, v4  }
0x194: {  	s16 =	sadd.s32 $0x800, s16;
	v41 =	vperm.xlane v22, v5;
	[tilespmem:$0x1FE10] =	vst v1  }
0x195: {  	v11 =	vld [tilespmem:$0x1FE30];
	v42 =	vperm.xlane v22, v7;
	[tilespmem:s16+$0x3D0] =	vst v19  }
0x196: {  	v20 =	vld [tilespmem:s19+$0xFFFFFE80];
	v43 =	vperm.xlane v22, v9;
	[tilespmem:s16+$0xFFFFFDB0] =	vst v41  }
0x197: {  	v44 =	vperm.xlane v22, v12;
	[tilespmem:s16+$0xFFFFFDD0] =	vst v42  }
0x198: {  	v6 =	vld [tilespmem:$0x1FE60];
	v45 =	vperm.xlane v22, v2;
	[tilespmem:s16+$0xFFFFFDF0] =	vst v43  }
0x199: {  	v8 =	vld [tilespmem:$0x1FE80];
	v46 =	vperm.xlane v22, v4;
	[tilespmem:s16+$0xFFFFFE10] =	vst v44  }
0x19a: {  	v18 =	vld [tilespmem:s19+$0xFFFFFE00];
	v24 =	vperm.xlane v14, v11;
	[tilespmem:s16+$0x1B0] =	vst v45  }
0x19b: {  	v23 =	vperm.xlane v20, v0;
	[tilespmem:s16+$0x1D0] =	vst v46  }
0x19c: {  	v25 =	vperm.xlane v20, v5;
	[tilespmem:s16+$0x3D8] =	vst v24  }
0x19d: {  	v26 =	vperm.xlane v20, v6;
	[tilespmem:s16+$0xFFFFFCA0] =	vst v23  }
0x19e: {  	v27 =	vperm.xlane v20, v8;
	[tilespmem:s16+$0xFFFFFCB0] =	vst v25  }
0x19f: {  	v10 =	vld [tilespmem:$0x1FEA0];
	v30 =	vperm.xlane v18, v0;
	[tilespmem:s16+$0xFFFFFCC0] =	vst v26  }
0x1a0: {  	v31 =	vperm.xlane v18, v5;
	[tilespmem:s16+$0xFFFFFCE0] =	vst v27  }
0x1a1: {  	v32 =	vperm.xlane v18, v7;
	[tilespmem:s16+$0xFFFFFC20] =	vst v30  }
0x1a2: {  	v3 =	vld [tilespmem:$0x1FEE0];
	v54 =	vperm.xlane v18, v8;
	[tilespmem:s16+$0xFFFFFC30] =	vst v31  }
0x1a3: {  	v55 =	vperm.xlane v18, v9;
	[tilespmem:s16+$0xFFFFFC50] =	vst v32  }
0x1a4: {  	v56 =	vperm.xlane v18, v10;
	[tilespmem:s16+$0xFFFFFC60] =	vst v54  }
0x1a5: {  	v33 =	vperm.xlane v18, v12;
	[tilespmem:s16+$0xFFFFFC70] =	vst v55  }
0x1a6: {  	v34 =	vperm.xlane v18, v2;
	[tilespmem:s16+$0xFFFFFC80] =	vst v56  }
0x1a7: {  	v57 =	vperm.xlane v18, v3;
	[tilespmem:s16+$0xFFFFFC90] =	vst v33  }
0x1a8: {  	v35 =	vperm.xlane v18, v4;
	[tilespmem:s16+$0x30] =	vst v34  }
0x1a9: {  	v21 =	vld [tilespmem:s19+$0xFFFFFF00];
	v51 =	vperm.xlane v20, v10;
	[tilespmem:s16+$0x40] =	vst v57  }
0x1aa: {  	v52 =	vperm.xlane v20, v12;
	[tilespmem:s16+$0x50] =	vst v35  }
0x1ab: {  	v53 =	vperm.xlane v20, v2;
	[tilespmem:s16+$0xFFFFFD00] =	vst v51  }
0x1ac: {  	v29 =	vperm.xlane v20, v3;
	[tilespmem:s16+$0xFFFFFD10] =	vst v52  }
0x1ad: {  	v58 =	vperm.xlane v20, v4;
	[tilespmem:s16+$0xB0] =	vst v53  }
0x1ae: {  	v59 =	vperm.xlane v21, v0;
	[tilespmem:s16+$0xC0] =	vst v29  }
0x1af: {  	v60 =	vperm.xlane v21, v5;
	[tilespmem:s16+$0xD0] =	vst v58  }
0x1b0: {  	v36 =	vperm.xlane v21, v6;
	[tilespmem:s16+$0xFFFFFD20] =	vst v59  }
0x1b1: {  	v61 =	vperm.xlane v21, v7;
	[tilespmem:s16+$0xFFFFFD30] =	vst v60  }
0x1b2: {  	v17 =	vld [tilespmem:s19+$0x0];
	v37 =	vperm.xlane v21, v8;
	[tilespmem:s16+$0xFFFFFD40] =	vst v36  }
0x1b3: {  	v38 =	vperm.xlane v21, v10;
	[tilespmem:s16+$0xFFFFFD50] =	vst v61  }
0x1b4: {  	v62 =	vperm.xlane v21, v12;
	[tilespmem:s16+$0xFFFFFD60] =	vst v37  }
0x1b5: {  	v63 =	vperm.xlane v21, v2;
	[tilespmem:s16+$0xFFFFFD80] =	vst v38  }
0x1b6: {  	v15 =	vld [tilespmem:s19+$0x100];
	v40 =	vperm.xlane v21, v3;
	[tilespmem:s16+$0xFFFFFD90] =	vst v62  }
0x1b7: {  	v47 =	vperm.xlane v17, v6;
	[tilespmem:s16+$0x130] =	vst v63  }
0x1b8: {  	v48 =	vperm.xlane v17, v7;
	[tilespmem:s16+$0x140] =	vst v40  }
0x1b9: {  	v49 =	vperm.xlane v17, v8;
	[tilespmem:s16+$0xFFFFFE40] =	vst v47  }
0x1ba: {  	v50 =	vperm.xlane v17, v10;
	[tilespmem:s16+$0xFFFFFE50] =	vst v48  }
0x1bb: {  	v13 =	vperm.xlane v15, v9;
	[tilespmem:s16+$0xFFFFFE60] =	vst v49  }
0x1bc: {  	v19 =	vperm.xlane v20, v7;
	[tilespmem:s16+$0xFFFFFE80] =	vst v50  }
0x1bd: {  	v41 =	vperm.xlane v15, v12;
	[tilespmem:s16+$0xFFFFFF70] =	vst v13  }
0x1be: {  	v42 =	vperm.xlane v15, v4;
	[tilespmem:s16+$0xFFFFFCD0] =	vst v19  }
0x1bf: {  	v23 =	vperm.xlane v20, v9;
	[tilespmem:s16+$0xFFFFFF90] =	vst v41  }
0x1c0: {  	v35 =	vperm.xlane v21, v4;
	[tilespmem:s16+$0x350] =	vst v42  }
0x1c1: {  	v24 =	vperm.xlane v22, v8;
	[tilespmem:s16+$0xFFFFFCF0] =	vst v23  }
0x1c2: {  	v25 =	vperm.xlane v22, v10;
	[tilespmem:s16+$0x150] =	vst v35  }
0x1c3: {  	v26 =	vperm.xlane v22, v3;
	[tilespmem:s16+$0xFFFFFDE0] =	vst v24  }
0x1c4: {  	v29 =	vperm.xlane v17, v0;
	[tilespmem:s16+$0xFFFFFE00] =	vst v25  }
0x1c5: {  	v27 =	vperm.xlane v17, v5;
	[tilespmem:s16+$0x1C0] =	vst v26  }
0x1c6: {  	v16 =	vld [tilespmem:s19+$0x80];
	v30 =	vperm.xlane v17, v9;
	[tilespmem:s16+$0xFFFFFE20] =	vst v29  }
0x1c7: {  	v31 =	vperm.xlane v17, v12;
	[tilespmem:s16+$0xFFFFFE30] =	vst v27  }
0x1c8: {  	v36 =	vperm.xlane v17, v2;
	[tilespmem:s16+$0xFFFFFE70] =	vst v30  }
0x1c9: {  	v52 =	vperm.xlane v17, v3;
	[tilespmem:s16+$0xFFFFFE90] =	vst v31  }
0x1ca: {  	v33 =	vperm.xlane v17, v4;
	[tilespmem:s16+$0x230] =	vst v36  }
0x1cb: {  	v37 =	vperm.xlane v16, v0;
	[tilespmem:s16+$0x240] =	vst v52  }
0x1cc: {  	v54 =	vperm.xlane v16, v5;
	[tilespmem:s16+$0x250] =	vst v33  }
0x1cd: {  	v55 =	vperm.xlane v16, v6;
	[tilespmem:s16+$0xFFFFFEA0] =	vst v37  }
0x1ce: {  	v56 =	vperm.xlane v16, v7;
	[tilespmem:s16+$0xFFFFFEB0] =	vst v54  }
0x1cf: {  	v38 =	vperm.xlane v16, v8;
	[tilespmem:s16+$0xFFFFFEC0] =	vst v55  }
0x1d0: {  	v57 =	vperm.xlane v16, v9;
	[tilespmem:s16+$0xFFFFFED0] =	vst v56  }
0x1d1: {  	v34 =	vperm.xlane v16, v10;
	[tilespmem:s16+$0xFFFFFEE0] =	vst v38  }
0x1d2: {  	v58 =	vperm.xlane v16, v12;
	[tilespmem:s16+$0xFFFFFEF0] =	vst v57  }
0x1d3: {  	v59 =	vperm.xlane v16, v2;
	[tilespmem:s16+$0xFFFFFF00] =	vst v34  }
0x1d4: {  	v32 =	vperm.xlane v16, v3;
	[tilespmem:s16+$0xFFFFFF10] =	vst v58  }
0x1d5: {  	v60 =	vperm.xlane v16, v4;
	[tilespmem:s16+$0x2B0] =	vst v59  }
0x1d6: {  	v61 =	vperm.xlane v15, v0;
	[tilespmem:s16+$0x2C0] =	vst v32  }
0x1d7: {  	v62 =	vperm.xlane v15, v6;
	[tilespmem:s16+$0x2D0] =	vst v60  }
0x1d8: {  	v63 =	vperm.xlane v15, v7;
	[tilespmem:s16+$0xFFFFFF20] =	vst v61  }
0x1d9: {  	v4 =	vperm.xlane v15, v11;
	[tilespmem:s16+$0xFFFFFF40] =	vst v62  }
0x1da: {  	v19 =	vperm.xlane v18, v6;
	[tilespmem:s16+$0xFFFFFF50] =	vst v63  }
0x1db: {  	v53 =	vperm.xlane v17, v11;
	[tilespmem:s16+$0x358] =	vst v4  }
0x1dc: {  	v1 =	vld [tilespmem:$0x1FEC0];
	v40 =	vperm.xlane v16, v11;
	[tilespmem:s16+$0xFFFFFC40] =	vst v19  }
0x1dd: {  	v23 =	vperm.xlane v22, v6;
	[tilespmem:s16+$0x258] =	vst v53  }
0x1de: {  	v35 =	vperm.xlane v15, v5;
	[tilespmem:s16+$0x2D8] =	vst v40  }
0x1df: {  	v24 =	vperm.xlane v14, v5;
	[tilespmem:s16+$0xFFFFFDC0] =	vst v23  }
0x1e0: {  	v5 =	vperm.xlane v14, v6;
	[tilespmem:s16+$0xFFFFFF30] =	vst v35  }
0x1e1: {  	v19 =	vperm.xlane v18, v1;
	[tilespmem:s16+$0xFFFFFFB0] =	vst v24  }
0x1e2: {  	v18 =	vperm.xlane v18, v11;
	[tilespmem:s16+$0xFFFFFFC0] =	vst v5  }
0x1e3: {  	v28 =	vperm.xlane v20, v1;
	[tilespmem:s16+$0x20] =	vst v19  }
0x1e4: {  	v20 =	vperm.xlane v20, v11;
	[tilespmem:s16+$0x58] =	vst v18  }
0x1e5: {  	v63 =	vld [tilespmem:$0x1FE10];
	v39 =	vperm.xlane v21, v1;
	[tilespmem:s16+$0xA0] =	vst v28  }
0x1e6: {  	v51 =	vperm.xlane v17, v1;
	[tilespmem:s16+$0xD8] =	vst v20  }
0x1e7: {  	v23 =	vperm.xlane v15, v2;
	[tilespmem:s16+$0x120] =	vst v39  }
0x1e8: {  	[tilespmem:s16+$0x220] =	vst v51  }
0x1e9: {  	v19 =	vperm.xlane v21, v9;
	[tilespmem:s16+$0x330] =	vst v23  }
0x1ea: {  	v21 =	vperm.xlane v21, v11;
	[tilespmem:s16+$0xFFFFFFA0] =	vst v63  }
0x1eb: {  	v18 =	vperm.xlane v22, v0;
	[tilespmem:s16+$0xFFFFFD70] =	vst v19  }
0x1ec: {  	v39 =	vperm.xlane v16, v1;
	v16 =	vperm.xlane v15, v10;
	[tilespmem:s16+$0x158] =	vst v21  }
0x1ed: {  	v28 =	vperm.xlane v22, v1;
	[tilespmem:s16+$0xFFFFFDA0] =	vst v18  }
0x1ee: {  	[tilespmem:$0x1FDE0] =	vst v16;
	v16 =	vperm.xlane v15, v1  }
0x1ef: {  	v22 =	vperm.xlane v22, v11;
	[tilespmem:s16+$0x1A0] =	vst v28  }
0x1f0: {  	[tilespmem:$0x1FDF0] =	vst v16;
	v16 =	vperm.xlane v15, v3  }
0x1f1: {  	[tilespmem:s16+$0x1D8] =	vst v22;
	v60 =	vld [tilespmem:$0x1FDE0]  }
0x1f2: {  	s18 =	sadd.s32 $0x8, s18;
	v0 =	vperm.xlane v15, v8;
	v61 =	vld [tilespmem:$0x1FDF0];
	[tilespmem:$0x1FE00] =	vst v16  }
0x1f3: {  	p0 =	slt.u32 s18, $0x78;
	v11 =	vperm.xlane v14, v7;
	[tilespmem:s16+$0x2A0] =	vst v39;
	v62 =	vld [tilespmem:$0x1FE00]  }
.Ltmp1:
0x1f4: {  	[tilespmem:s16+$0xFFFFFF60] =	vst v0;
	(pc) =	sbr.rel @p0 .LBB2_5-.Ltmp1, $4  }
0x1f5: {  	v17 =	vperm.xlane v14, v12;
	[tilespmem:s16+$0xFFFFFFD0] =	vst v11  }
0x1f6: {  	v20 =	vperm.xlane v14, v8;
	v21 =	vperm.xlane v14, v9;
	[tilespmem:s16+$0xFFFFFF80] =	vst v60  }
0x1f7: {  	v19 =	vperm.xlane v14, v1;
	v18 =	vperm.xlane v14, v3;
	[tilespmem:s16+$0x320] =	vst v61  }
0x1f8: {  	s19 =	sadd.s32 $0x400, s19;
	v15 =	vperm.xlane v14, v2;
	v16 =	vperm.xlane v14, v10;
	[tilespmem:s16+$0x340] =	vst v62  }
0x1f9: {  	[tilespmem:s16+$0xFFFFFFE0] =	vst v20  }
0x1fa: {  	[tilespmem:s16+$0xFFFFFFF0] =	vst v21;
	s15 =	sadd.s32 $0x1, s15  }
0x1fb: {  	[tilespmem:s16+$0x10] =	vst v17;
	p0 =	sne.s32 s15, $0x40  }
.Ltmp2:
0x1fc: {  	[tilespmem:s16+$0x3A0] =	vst v19;
	(pc) =	sbr.rel @p0 .LBB2_2-.Ltmp2, $4  }
0x1fd: {  	s17 =	sadd.s32 s4, s17;
	[tilespmem:s16+$0x3C0] =	vst v18  }
0x1fe: {  	[tilespmem:s16+$0x0] =	vst v16;
	s17 =	sshll.u32 s17, $0xC  }
0x1ff: {  	[tilespmem:s16+$0x3B0] =	vst v15;
	s31 =	sadd.s32 s5, s17  }
0x200: {  	[hbm4b:s31+s3] =	stream.linear.scatter [tilespmem:s11], [sflag:$0x2], $0x8000, $0x38;
	[tilespmem:$0x1C000] =	vst v63  }
0x201: {  	s14 =	sadd.s32 $0x1, s14  }
0x202: {  	_ =	swait.ge [sflag:s12], $0x8000;
	p0 =	sne.s32 s14, s7  }
.Ltmp3:
0x203: {  	[sflag:s12] =	ssyncset.done $0x0;
	(pc) =	sbr.rel @p0 .LBB2_1-.Ltmp3, $4  }
0x204: {  	[sflag:s12] =	ssyncadd.s32 $0xFFFF8000  }
0x205: {  	_ =	swait.ge [sflag:s13], $0x8000  }
0x206: {  	[sflag:s13] =	ssyncset.done $0x0  }
0x207: {  	[sflag:s13] =	ssyncadd.s32 $0xFFFF8000  }
0x208: {  	_ =	sfence.sel $0x180000  }
0x209: {  	[bflag:$0x0] =	sbarrier.arrive $0xFFFF  }
0x20a: {  	p0 =	sne.s32 s2, $0x0;
	_ =	strace $0x90000047  }
0x20b: {  	s0 =	sadd.s32 @!p0 $0x100000, s0;
	[bflag:$0x2] =	sbarrier.arrive $0xFFFF  }
0x20c: {  	[sflag:s0] =	ssyncadd.tile.s32 @!p0 $0x1;
	_ =	shalt  }
.Lfunc_end2:
_tile_overlayer_lowered:
.L_overlay_start_2:
0x20d: {  	(tag) =	ssettag $0x2  }
0x20e: {  	s0 =	rddreg [dreg:$0x0];
	s2 =	stileid.u32  }
0x20f: {  	s1 =	rddreg [dreg:$0x1];
	p0 =	sne.s32 s2, $0x0  }
0x210: {  	s3 =	rddreg [dreg:$0x2];
	[bflag:$0x3] =	sbarrier.arrive $0xFFFF;
	s2 =	simm.s32 @!p0 $0x1C03  }
0x211: {  	[timem:s3], [sflag:s2] =	dma.local @!p0 [hbm:s0], s1  }
0x212: {  	s0 =	simm.s32 @!p0 $0x3  }
0x213: {  	_ =	swait.ge @!p0 [sflag:s0], s1  }
0x214: {  	s1 =	ssub.s32 @!p0 $0x0, s1;
	[sflag:s0] =	ssyncset.done @!p0 $0x0  }
0x215: {  	[sflag:s0] =	ssyncadd.s32 @!p0 s1  }
0x216: {  	[bflag:$0x3] =	sbarrier.arrive $0xFFFF  }
0x217: {  	_ =	shalt  }

</sc_bundles>
